<compile_context>
chip_gen: v7x
topology: tpu7x:2x2x1
jax: 0.10.2.dev20260603
libtpu: 0.0.44.dev20260713+nightly
codegen_flags: <defaults>
</compile_context>

<pallas_src>
import functools

import jax
import jax.numpy as jnp
from jax import lax
from jax.experimental import pallas as pl
from jax.experimental.pallas import tpu as pltpu
from jax.experimental.pallas import tpu_sc as plsc

NUM_NODES_IN = 10000
NUM_EDGES_IN = 320000
EDGE_DIM = 16
HIDDEN_DIM = 128

NC = 2
NS = 16
NW = NC * NS

N_PAD = 10240
ROWS_PER_TILE = N_PAD // NS
SUB = 128
N_BLK = NUM_EDGES_IN // SUB
BLK_PER_W = N_BLK // NW
EXTRA_W = N_BLK % NW
CHUNK_BLKS = 13
N_CHUNKS = BLK_PER_W // CHUNK_BLKS


def _sc_segment_sum(edge_attr, ei3):
    mesh = plsc.VectorSubcoreMesh(core_axis_name="c", subcore_axis_name="s")

    @functools.partial(
        pl.kernel,
        mesh=mesh,
        compiler_params=pltpu.CompilerParams(use_tc_tiling_on_sc=False),
        out_type=(
            jax.ShapeDtypeStruct((NC, N_PAD, EDGE_DIM), jnp.float32),
            jax.ShapeDtypeStruct((NC * N_PAD,), jnp.float32),
        ),
        scratch_types=[
            pltpu.VMEM((2, CHUNK_BLKS * SUB, EDGE_DIM), jnp.float32),
            pltpu.VMEM((BLK_PER_W + 1, 2, SUB), jnp.int32),
            pltpu.VMEM((SUB,), jnp.float32),
            pltpu.VMEM((ROWS_PER_TILE, EDGE_DIM), jnp.float32),
            pltpu.VMEM((ROWS_PER_TILE,), jnp.float32),
            pltpu.VMEM_SHARED((N_PAD, EDGE_DIM), jnp.float32),
            pltpu.VMEM_SHARED((N_PAD,), jnp.float32),
            pltpu.SemaphoreType.DMA,
            pltpu.SemaphoreType.DMA,
            pltpu.SemaphoreType.DMA,
        ],
    )
    def seg(edge_hbm, dst_hbm, part_out, cnt_out,
            buf2, idxv, onesv, zbuf, zcnt, acc_sh, cnt_sh,
            dsem, csem, ssem):
        cid = lax.axis_index("c")
        sid = lax.axis_index("s")
        wid = cid * NS + sid
        base_blk = wid * BLK_PER_W + jnp.minimum(wid, EXTRA_W)

        ones16 = jnp.full((16,), 1.0, dtype=jnp.float32)
        zeros16 = jnp.zeros((16,), dtype=jnp.float32)

        for i in range(SUB // 16):
            onesv[pl.ds(i * 16, 16)] = ones16

        def zrow(i, _):
            zbuf[i, :] = zeros16
            return 0
        lax.fori_loop(0, ROWS_PER_TILE, zrow, 0)

        def zrow1(i, _):
            zcnt[pl.ds(i * 16, 16)] = zeros16
            return 0
        lax.fori_loop(0, ROWS_PER_TILE // 16, zrow1, 0)

        row0 = sid * ROWS_PER_TILE
        pltpu.sync_copy(zbuf, acc_sh.at[pl.ds(row0, ROWS_PER_TILE)])
        pltpu.sync_copy(zcnt, cnt_sh.at[pl.ds(row0, ROWS_PER_TILE)])
        plsc.subcore_barrier()

        pltpu.sync_copy(dst_hbm.at[pl.ds(base_blk, BLK_PER_W)],
                        idxv.at[pl.ds(0, BLK_PER_W)])

        def stage(g, sl):
            blk0 = base_blk + g * CHUNK_BLKS
            return pltpu.async_copy(
                edge_hbm.at[pl.ds(blk0 * SUB, CHUNK_BLKS * SUB)],
                buf2.at[sl], ssem)

        def fire(g, sl):
            buf = buf2.at[sl]

            def issue(t, _):
                idx = idxv.at[g * CHUNK_BLKS + t, 1]
                pltpu.async_copy(buf.at[pl.ds(t * SUB, SUB)],
                                 acc_sh.at[idx], dsem, add=True)
                pltpu.async_copy(onesv, cnt_sh.at[idx], csem, add=True)
                return 0
            lax.fori_loop(0, CHUNK_BLKS, issue, 0)

        def drain(g, sl):
            buf = buf2.at[sl]

            def dwait(t, _):
                idx = idxv.at[g * CHUNK_BLKS + t, 1]
                pltpu.make_async_copy(buf.at[pl.ds(t * SUB, SUB)],
                                      acc_sh.at[idx], dsem).wait()
                pltpu.make_async_copy(onesv, cnt_sh.at[idx], csem).wait()
                return 0
            lax.fori_loop(0, CHUNK_BLKS, dwait, 0)

        stage(0, 0).wait()

        def chunk_body(g, _):
            sl = lax.rem(g, 2)
            fire(g, sl)

            @pl.when(g + 1 < N_CHUNKS)
            def _():
                stage(g + 1, 1 - sl)

            drain(g, sl)

            @pl.when(g + 1 < N_CHUNKS)
            def _():
                pltpu.make_async_copy(
                    edge_hbm.at[pl.ds(base_blk * SUB, CHUNK_BLKS * SUB)],
                    buf2.at[1 - sl], ssem).wait()
            return 0
        lax.fori_loop(0, N_CHUNKS, chunk_body, 0)

        @pl.when(wid < EXTRA_W)
        def _():
            xblk = base_blk + BLK_PER_W
            pltpu.sync_copy(dst_hbm.at[pl.ds(xblk, 1)],
                            idxv.at[pl.ds(BLK_PER_W, 1)])
            pltpu.sync_copy(edge_hbm.at[pl.ds(xblk * SUB, SUB)],
                            buf2.at[0, pl.ds(0, SUB)])
            idx = idxv.at[BLK_PER_W, 1]
            pltpu.sync_copy(buf2.at[0, pl.ds(0, SUB)], acc_sh.at[idx],
                            add=True)
            pltpu.sync_copy(onesv, cnt_sh.at[idx], add=True)

        plsc.subcore_barrier()

        pltpu.sync_copy(acc_sh.at[pl.ds(row0, ROWS_PER_TILE)], zbuf)
        pltpu.sync_copy(zbuf, part_out.at[cid, pl.ds(row0, ROWS_PER_TILE)])
        pltpu.sync_copy(cnt_sh.at[pl.ds(row0, ROWS_PER_TILE)], zcnt)
        pltpu.sync_copy(
            zcnt, cnt_out.at[pl.ds(cid * N_PAD + row0, ROWS_PER_TILE)])

    return seg(edge_attr, ei3)


def _tc_dense_body(p_ref, c_ref, w1_ref, b1_ref, w2_ref, b2_ref, o_ref):
    s = p_ref[0] + p_ref[1]
    n = c_ref[:, 0:1] + c_ref[:, 1:2]
    c = jnp.maximum(n, 1.0)
    m = jnp.dot(s, w1_ref[...], preferred_element_type=jnp.float32)
    agg = (m + n * b1_ref[...]) / c
    o_ref[...] = (
        jnp.dot(agg, w2_ref[...], preferred_element_type=jnp.float32)
        + b2_ref[...]
    )


def _tc_dense(part, cnt_t, proj_W, proj_b2, upd_W, upd_b2):
    R = 1000
    grid = (NUM_NODES_IN // R,)
    return pl.pallas_call(
        _tc_dense_body,
        grid=grid,
        in_specs=[
            pl.BlockSpec((NC, R, EDGE_DIM), lambda i: (0, i, 0)),
            pl.BlockSpec((R, NC), lambda i: (i, 0)),
            pl.BlockSpec((EDGE_DIM, HIDDEN_DIM), lambda i: (0, 0)),
            pl.BlockSpec((1, HIDDEN_DIM), lambda i: (0, 0)),
            pl.BlockSpec((HIDDEN_DIM, HIDDEN_DIM), lambda i: (0, 0)),
            pl.BlockSpec((1, HIDDEN_DIM), lambda i: (0, 0)),
        ],
        out_specs=pl.BlockSpec((R, HIDDEN_DIM), lambda i: (i, 0)),
        out_shape=jax.ShapeDtypeStruct((NUM_NODES_IN, HIDDEN_DIM),
                                       jnp.float32),
    )(part, cnt_t, proj_W, proj_b2, upd_W, upd_b2)


@jax.jit
def kernel(edge_attr, edge_index, proj_W, proj_b, upd_W, upd_b):
    ei3 = (edge_index.astype(jnp.int32)
           .reshape(2, N_BLK, SUB).transpose(1, 0, 2))
    part, cnt = _sc_segment_sum(edge_attr, ei3)
    return _tc_dense(
        part,
        cnt.reshape(NC, N_PAD).T,
        proj_W,
        proj_b.reshape(1, HIDDEN_DIM),
        upd_W,
        upd_b.reshape(1, HIDDEN_DIM),
    )

# --- scband reference (transcript-rebuilt; emitter-appended) ---
"""Pipeline reference for scband-node-block-30391188586590 (READ-ONLY COPY).

The authoritative reference and input builder live on the scoring server;
editing this copy changes nothing except your own understanding.
"""

import jax, jax.numpy as jnp
import numpy as np

NUM_NODES = 10000
NUM_EDGES = 320000
EDGE_DIM = 16
HIDDEN_DIM = 128


def setup_inputs(seed: int = 0) -> dict:
    key = jax.random.key(seed)
    k1, k2, k3, k4 = jax.random.split(key, 4)
    edge_attr = jax.random.normal(k1, (NUM_EDGES, EDGE_DIM), dtype=jnp.float32)
    edge_index = jax.random.randint(k2, (2, NUM_EDGES), 0, NUM_NODES, dtype=jnp.int64)
    proj_W = jax.random.normal(k3, (EDGE_DIM, HIDDEN_DIM), dtype=jnp.float32) * (1.0 / np.sqrt(EDGE_DIM))
    proj_b = jnp.zeros((HIDDEN_DIM,), dtype=jnp.float32)
    upd_W = jax.random.normal(k4, (HIDDEN_DIM, HIDDEN_DIM), dtype=jnp.float32) * (1.0 / np.sqrt(HIDDEN_DIM))
    upd_b = jnp.zeros((HIDDEN_DIM,), dtype=jnp.float32)
    return {"edge_attr": edge_attr, "edge_index": edge_index, "proj_W": proj_W, "proj_b": proj_b, "upd_W": upd_W, "upd_b": upd_b}


def reference(edge_attr, edge_index, proj_W, proj_b, upd_W, upd_b):
    # NodeBlock: for each node, project incoming edge attrs, mean-aggregate, then update.
    # Tensorized: project all edge data with the (single-type) node projector,
    # scatter-mean by destination node, then apply the updater MLP.
    dst = edge_index[1]
    msgs = edge_attr @ proj_W + proj_b  # node_projectors[None](e.data) for every edge
    summed = jax.ops.segment_sum(msgs, dst, num_segments=NUM_NODES)
    counts = jax.ops.segment_sum(jnp.ones((msgs.shape[0],), dtype=msgs.dtype), dst, num_segments=NUM_NODES)
    aggregated = summed / jnp.clip(counts, 1.0, None)[:, None]  # MeanAggregator
    updated = aggregated @ upd_W + upd_b  # _updaters(aggregated)
    return updated

if __name__ == "__main__":
    import jax
    _d = setup_inputs()
    print(jax.jit(kernel)(*tuple(_d.values())))

</pallas_src>

<mosaic_0001>
#map = affine_map<(d0, d1) -> (0, 0)>
#map1 = affine_map<(d0, d1) -> (0, 0, 0)>
#map2 = affine_map<(d0, d1) -> (0)>
module attributes {stable_mosaic.version = 14 : i64} {
  func.func @seg(%arg0: i32, %arg1: i32, %arg2: memref<320000x16xf32, #tpu.memory_space<hbm>>, %arg3: memref<2500x2x128xi32, #tpu.memory_space<hbm>>, %arg4: memref<2x10240x16xf32, #tpu.memory_space<hbm>>, %arg5: memref<20480xf32, #tpu.memory_space<hbm>>, %arg6: memref<2x1664x16xf32, #tpu.memory_space<vmem>>, %arg7: memref<79x2x128xi32, #tpu.memory_space<vmem>>, %arg8: memref<128xf32, #tpu.memory_space<vmem>>, %arg9: memref<640x16xf32, #tpu.memory_space<vmem>>, %arg10: memref<640xf32, #tpu.memory_space<vmem>>, %arg11: memref<10240x16xf32, #tpu.memory_space<vmem_shared>>, %arg12: memref<10240xf32, #tpu.memory_space<vmem_shared>>, %arg13: memref<!tpu.dma_semaphore, #tpu.memory_space<semaphore_mem>>, %arg14: memref<!tpu.dma_semaphore, #tpu.memory_space<semaphore_mem>>, %arg15: memref<!tpu.dma_semaphore, #tpu.memory_space<semaphore_mem>>) attributes {dimension_semantics = [#tpu.dimension_semantics<core_parallel>, #tpu.dimension_semantics<subcore_parallel>], iteration_bounds = array<i64: 2, 16>, scalar_prefetch = 0 : i64, scratch_operands = 10 : i64, tpu.core_type = #tpu.core_type<sc_vector_subcore>, window_params = [{transform_indices = #map}, {transform_indices = #map1}, {transform_indices = #map1}, {transform_indices = #map2}]} {
    %mul3A = arith.constant 16 : i32
    %mul3A_0 = arith.muli %arg0, %mul3A : i32
    %add3A = arith.addi %mul3A_0, %arg1 : i32
    %mul3A_1 = arith.constant 78 : i32
    %mul3A_2 = arith.muli %add3A, %mul3A_1 : i32
    %min3A = arith.constant 4 : i32
    %min3A_3 = arith.minsi %add3A, %min3A : i32
    %add3A_4 = arith.addi %mul3A_2, %min3A_3 : i32
    %broadcast_in_dim3A = arith.constant 1.000000e+00 : f32
    %broadcast_in_dim3A_5 = vector.broadcast %broadcast_in_dim3A : f32 to vector<16xf32>
    %broadcast_in_dim3A_6 = arith.constant 0.000000e+00 : f32
    %broadcast_in_dim3A_7 = vector.broadcast %broadcast_in_dim3A_6 : f32 to vector<16xf32>
    %swap3A = arith.constant 0 : index
    %swap3A_8 = tpu.vector_load %arg8[%swap3A] {strides = array<i32>} : memref<128xf32, #tpu.memory_space<vmem>>, vector<16xf32>,
    %swap3A_9 = vector.shape_cast %swap3A_8 : vector<16xf32> to vector<16xf32>
    %swap3A_10 = vector.shape_cast %broadcast_in_dim3A_5 : vector<16xf32> to vector<16xf32>
    tpu.vector_store %arg8[%swap3A], %swap3A_10 {strides = array<i32>} : memref<128xf32, #tpu.memory_space<vmem>>, vector<16xf32>,
    %swap3A_11 = arith.constant 16 : index
    %swap3A_12 = tpu.vector_load %arg8[%swap3A_11] {strides = array<i32>} : memref<128xf32, #tpu.memory_space<vmem>>, vector<16xf32>,
    %swap3A_13 = vector.shape_cast %swap3A_12 : vector<16xf32> to vector<16xf32>
    %swap3A_14 = vector.shape_cast %broadcast_in_dim3A_5 : vector<16xf32> to vector<16xf32>
    tpu.vector_store %arg8[%swap3A_11], %swap3A_14 {strides = array<i32>} : memref<128xf32, #tpu.memory_space<vmem>>, vector<16xf32>,
    %swap3A_15 = arith.constant 32 : index
    %swap3A_16 = tpu.vector_load %arg8[%swap3A_15] {strides = array<i32>} : memref<128xf32, #tpu.memory_space<vmem>>, vector<16xf32>,
    %swap3A_17 = vector.shape_cast %swap3A_16 : vector<16xf32> to vector<16xf32>
    %swap3A_18 = vector.shape_cast %broadcast_in_dim3A_5 : vector<16xf32> to vector<16xf32>
    tpu.vector_store %arg8[%swap3A_15], %swap3A_18 {strides = array<i32>} : memref<128xf32, #tpu.memory_space<vmem>>, vector<16xf32>,
    %swap3A_19 = arith.constant 48 : index
    %swap3A_20 = tpu.vector_load %arg8[%swap3A_19] {strides = array<i32>} : memref<128xf32, #tpu.memory_space<vmem>>, vector<16xf32>,
    %swap3A_21 = vector.shape_cast %swap3A_20 : vector<16xf32> to vector<16xf32>
    %swap3A_22 = vector.shape_cast %broadcast_in_dim3A_5 : vector<16xf32> to vector<16xf32>
    tpu.vector_store %arg8[%swap3A_19], %swap3A_22 {strides = array<i32>} : memref<128xf32, #tpu.memory_space<vmem>>, vector<16xf32>,
    %swap3A_23 = arith.constant 64 : index
    %swap3A_24 = tpu.vector_load %arg8[%swap3A_23] {strides = array<i32>} : memref<128xf32, #tpu.memory_space<vmem>>, vector<16xf32>,
    %swap3A_25 = vector.shape_cast %swap3A_24 : vector<16xf32> to vector<16xf32>
    %swap3A_26 = vector.shape_cast %broadcast_in_dim3A_5 : vector<16xf32> to vector<16xf32>
    tpu.vector_store %arg8[%swap3A_23], %swap3A_26 {strides = array<i32>} : memref<128xf32, #tpu.memory_space<vmem>>, vector<16xf32>,
    %swap3A_27 = arith.constant 80 : index
    %swap3A_28 = tpu.vector_load %arg8[%swap3A_27] {strides = array<i32>} : memref<128xf32, #tpu.memory_space<vmem>>, vector<16xf32>,
    %swap3A_29 = vector.shape_cast %swap3A_28 : vector<16xf32> to vector<16xf32>
    %swap3A_30 = vector.shape_cast %broadcast_in_dim3A_5 : vector<16xf32> to vector<16xf32>
    tpu.vector_store %arg8[%swap3A_27], %swap3A_30 {strides = array<i32>} : memref<128xf32, #tpu.memory_space<vmem>>, vector<16xf32>,
    %swap3A_31 = arith.constant 96 : index
    %swap3A_32 = tpu.vector_load %arg8[%swap3A_31] {strides = array<i32>} : memref<128xf32, #tpu.memory_space<vmem>>, vector<16xf32>,
    %swap3A_33 = vector.shape_cast %swap3A_32 : vector<16xf32> to vector<16xf32>
    %swap3A_34 = vector.shape_cast %broadcast_in_dim3A_5 : vector<16xf32> to vector<16xf32>
    tpu.vector_store %arg8[%swap3A_31], %swap3A_34 {strides = array<i32>} : memref<128xf32, #tpu.memory_space<vmem>>, vector<16xf32>,
    %swap3A_35 = arith.constant 112 : index
    %swap3A_36 = tpu.vector_load %arg8[%swap3A_35] {strides = array<i32>} : memref<128xf32, #tpu.memory_space<vmem>>, vector<16xf32>,
    %swap3A_37 = vector.shape_cast %swap3A_36 : vector<16xf32> to vector<16xf32>
    %swap3A_38 = vector.shape_cast %broadcast_in_dim3A_5 : vector<16xf32> to vector<16xf32>
    tpu.vector_store %arg8[%swap3A_35], %swap3A_38 {strides = array<i32>} : memref<128xf32, #tpu.memory_space<vmem>>, vector<16xf32>,
    %scan3A = arith.constant 0 : i32
    %scan3A_39 = arith.constant 0 : i32
    %scan3A_40 = arith.constant 640 : i32
    %scan3A_41 = arith.addi %scan3A_39, %scan3A_40 : i32
    %scan3A_42 = arith.constant 1 : i32
    %scan3A_43 = scf.for %scan3A_95 = %scan3A_39 to %scan3A_41 step %scan3A_42 iter_args(%scan3A_96 = %scan3A) -> (i32)  : i32 {
      %swap3A_97 = arith.index_cast %scan3A_95 : i32 to index
      %swap3A_98 = arith.constant 0 : index
      %swap3A_99 = tpu.vector_load %arg9[%swap3A_97, %swap3A_98] {strides = array<i32>} : memref<640x16xf32, #tpu.memory_space<vmem>>, vector<1x16xf32>,
      %swap3A_100 = vector.shape_cast %swap3A_99 : vector<1x16xf32> to vector<16xf32>
      %swap3A_101 = vector.shape_cast %broadcast_in_dim3A_7 : vector<16xf32> to vector<1x16xf32>
      tpu.vector_store %arg9[%swap3A_97, %swap3A_98], %swap3A_101 {strides = array<i32>} : memref<640x16xf32, #tpu.memory_space<vmem>>, vector<1x16xf32>,
      %scan3A_102 = arith.constant 0 : i32
      scf.yield %scan3A_102 : i32
    }
    %scan3A_44 = arith.constant 640 : i32
    %scan3A_45 = arith.constant 0 : i32
    %scan3A_46 = arith.constant 0 : i32
    %scan3A_47 = arith.constant 40 : i32
    %scan3A_48 = arith.addi %scan3A_46, %scan3A_47 : i32
    %scan3A_49 = arith.constant 1 : i32
    %scan3A_50 = scf.for %scan3A_95 = %scan3A_46 to %scan3A_48 step %scan3A_49 iter_args(%scan3A_96 = %scan3A_45) -> (i32)  : i32 {
      %mul3A_97 = arith.constant 16 : i32
      %mul3A_98 = arith.muli %scan3A_95, %mul3A_97 : i32
      %swap3A_99 = arith.index_cast %mul3A_98 : i32 to index
      %swap3A_100 = tpu.vector_load %arg10[%swap3A_99] {strides = array<i32>} : memref<640xf32, #tpu.memory_space<vmem>>, vector<16xf32>,
      %swap3A_101 = vector.shape_cast %swap3A_100 : vector<16xf32> to vector<16xf32>
      %swap3A_102 = vector.shape_cast %broadcast_in_dim3A_7 : vector<16xf32> to vector<16xf32>
      tpu.vector_store %arg10[%swap3A_99], %swap3A_102 {strides = array<i32>} : memref<640xf32, #tpu.memory_space<vmem>>, vector<16xf32>,
      %scan3A_103 = arith.constant 0 : i32
      scf.yield %scan3A_103 : i32
    }
    %scan3A_51 = arith.constant 40 : i32
    %mul3A_52 = arith.constant 640 : i32
    %mul3A_53 = arith.muli %arg1, %mul3A_52 : i32
    "tpu.region"() ({
      %run_scoped3A = tpu.sem_alloc : memref<!tpu.dma_semaphore, #tpu.memory_space<semaphore_mem>>
      %dma_start3A_95 = arith.constant 0 : i32
      %dma_start3A_96 = tpu.memref_slice %arg11[%mul3A_53, %dma_start3A_95] : memref<10240x16xf32, #tpu.memory_space<vmem_shared>> -> memref<640x16xf32, #tpu.memory_space<vmem_shared>>
      %dma_start3A_97 = arith.constant 0 : i32
      %dma_start3A_98 = tpu.memref_slice %arg11[%mul3A_53, %dma_start3A_97] : memref<10240x16xf32, #tpu.memory_space<vmem_shared>> -> memref<640x16xf32, #tpu.memory_space<vmem_shared>>
      tpu.enqueue_dma source(%arg9 : memref<640x16xf32, #tpu.memory_space<vmem>>) target(%dma_start3A_98 : memref<640x16xf32, #tpu.memory_space<vmem_shared>>) target_semaphore(%run_scoped3A : memref<!tpu.dma_semaphore, #tpu.memory_space<semaphore_mem>>)
      %dma_wait3A_99 = arith.constant 0 : i32
      %dma_wait3A_100 = tpu.memref_slice %arg11[%mul3A_53, %dma_wait3A_99] : memref<10240x16xf32, #tpu.memory_space<vmem_shared>> -> memref<640x16xf32, #tpu.memory_space<vmem_shared>>
      %dma_wait3A_101 = arith.constant 0 : i32
      %dma_wait3A_102 = tpu.memref_slice %arg11[%mul3A_53, %dma_wait3A_101] : memref<10240x16xf32, #tpu.memory_space<vmem_shared>> -> memref<640x16xf32, #tpu.memory_space<vmem_shared>>
      tpu.wait_dma2 semaphore(%run_scoped3A : memref<!tpu.dma_semaphore, #tpu.memory_space<semaphore_mem>>) src(%arg9 : memref<640x16xf32, #tpu.memory_space<vmem>>) dst(%dma_wait3A_102 : memref<640x16xf32, #tpu.memory_space<vmem_shared>>)
      tpu.yield
    }) : () -> ()
    "tpu.region"() ({
      %run_scoped3A = tpu.sem_alloc : memref<!tpu.dma_semaphore, #tpu.memory_space<semaphore_mem>>
      %dma_start3A_95 = tpu.memref_slice %arg12[%mul3A_53] : memref<10240xf32, #tpu.memory_space<vmem_shared>> -> memref<640xf32, #tpu.memory_space<vmem_shared>>
      %dma_start3A_96 = tpu.memref_slice %arg12[%mul3A_53] : memref<10240xf32, #tpu.memory_space<vmem_shared>> -> memref<640xf32, #tpu.memory_space<vmem_shared>>
      tpu.enqueue_dma source(%arg10 : memref<640xf32, #tpu.memory_space<vmem>>) target(%dma_start3A_96 : memref<640xf32, #tpu.memory_space<vmem_shared>>) target_semaphore(%run_scoped3A : memref<!tpu.dma_semaphore, #tpu.memory_space<semaphore_mem>>)
      %dma_wait3A_97 = tpu.memref_slice %arg12[%mul3A_53] : memref<10240xf32, #tpu.memory_space<vmem_shared>> -> memref<640xf32, #tpu.memory_space<vmem_shared>>
      %dma_wait3A_98 = tpu.memref_slice %arg12[%mul3A_53] : memref<10240xf32, #tpu.memory_space<vmem_shared>> -> memref<640xf32, #tpu.memory_space<vmem_shared>>
      tpu.wait_dma2 semaphore(%run_scoped3A : memref<!tpu.dma_semaphore, #tpu.memory_space<semaphore_mem>>) src(%arg10 : memref<640xf32, #tpu.memory_space<vmem>>) dst(%dma_wait3A_98 : memref<640xf32, #tpu.memory_space<vmem_shared>>)
      tpu.yield
    }) : () -> ()
    %barrier3A = arith.constant 0 : index
    tpu.barrier barrier_id(%barrier3A)
    "tpu.region"() ({
      %run_scoped3A = tpu.sem_alloc : memref<!tpu.dma_semaphore, #tpu.memory_space<semaphore_mem>>
      %dma_start3A_95 = arith.constant 0 : i32
      %dma_start3A_96 = arith.constant 0 : i32
      %dma_start3A_97 = arith.constant 0 : i32
      %dma_start3A_98 = tpu.memref_slice %arg7[%dma_start3A_95, %dma_start3A_96, %dma_start3A_97] : memref<79x2x128xi32, #tpu.memory_space<vmem>> -> memref<78x2x128xi32, #tpu.memory_space<vmem>>
      %dma_start3A_99 = arith.constant 0 : i32
      %dma_start3A_100 = arith.constant 0 : i32
      %dma_start3A_101 = tpu.memref_slice %arg3[%add3A_4, %dma_start3A_99, %dma_start3A_100] : memref<2500x2x128xi32, #tpu.memory_space<hbm>> -> memref<78x2x128xi32, #tpu.memory_space<hbm>>
      %dma_start3A_102 = arith.constant 0 : i32
      %dma_start3A_103 = arith.constant 0 : i32
      %dma_start3A_104 = arith.constant 0 : i32
      %dma_start3A_105 = tpu.memref_slice %arg7[%dma_start3A_102, %dma_start3A_103, %dma_start3A_104] : memref<79x2x128xi32, #tpu.memory_space<vmem>> -> memref<78x2x128xi32, #tpu.memory_space<vmem>>
      %dma_start3A_106 = arith.constant 0 : i32
      %dma_start3A_107 = arith.constant 0 : i32
      %dma_start3A_108 = tpu.memref_slice %arg3[%add3A_4, %dma_start3A_106, %dma_start3A_107] : memref<2500x2x128xi32, #tpu.memory_space<hbm>> -> memref<78x2x128xi32, #tpu.memory_space<hbm>>
      tpu.enqueue_dma source(%dma_start3A_108 : memref<78x2x128xi32, #tpu.memory_space<hbm>>) target(%dma_start3A_105 : memref<78x2x128xi32, #tpu.memory_space<vmem>>) target_semaphore(%run_scoped3A : memref<!tpu.dma_semaphore, #tpu.memory_space<semaphore_mem>>)
      %dma_wait3A_109 = arith.constant 0 : i32
      %dma_wait3A_110 = arith.constant 0 : i32
      %dma_wait3A_111 = arith.constant 0 : i32
      %dma_wait3A_112 = tpu.memref_slice %arg7[%dma_wait3A_109, %dma_wait3A_110, %dma_wait3A_111] : memref<79x2x128xi32, #tpu.memory_space<vmem>> -> memref<78x2x128xi32, #tpu.memory_space<vmem>>
      %dma_wait3A_113 = arith.constant 0 : i32
      %dma_wait3A_114 = arith.constant 0 : i32
      %dma_wait3A_115 = tpu.memref_slice %arg3[%add3A_4, %dma_wait3A_113, %dma_wait3A_114] : memref<2500x2x128xi32, #tpu.memory_space<hbm>> -> memref<78x2x128xi32, #tpu.memory_space<hbm>>
      %dma_wait3A_116 = arith.constant 0 : i32
      %dma_wait3A_117 = arith.constant 0 : i32
      %dma_wait3A_118 = arith.constant 0 : i32
      %dma_wait3A_119 = tpu.memref_slice %arg7[%dma_wait3A_116, %dma_wait3A_117, %dma_wait3A_118] : memref<79x2x128xi32, #tpu.memory_space<vmem>> -> memref<78x2x128xi32, #tpu.memory_space<vmem>>
      %dma_wait3A_120 = arith.constant 0 : i32
      %dma_wait3A_121 = arith.constant 0 : i32
      %dma_wait3A_122 = tpu.memref_slice %arg3[%add3A_4, %dma_wait3A_120, %dma_wait3A_121] : memref<2500x2x128xi32, #tpu.memory_space<hbm>> -> memref<78x2x128xi32, #tpu.memory_space<hbm>>
      tpu.wait_dma2 semaphore(%run_scoped3A : memref<!tpu.dma_semaphore, #tpu.memory_space<semaphore_mem>>) src(%dma_wait3A_122 : memref<78x2x128xi32, #tpu.memory_space<hbm>>) dst(%dma_wait3A_119 : memref<78x2x128xi32, #tpu.memory_space<vmem>>)
      tpu.yield
    }) : () -> ()
    %add3A_54 = arith.constant 0 : i32
    %add3A_55 = arith.addi %add3A_4, %add3A_54 : i32
    %mul3A_56 = arith.constant 128 : i32
    %mul3A_57 = arith.muli %add3A_55, %mul3A_56 : i32
    %dma_start3A = arith.constant 0 : i32
    %dma_start3A_58 = arith.constant 0 : i32
    %dma_start3A_59 = arith.constant 0 : i32
    %dma_start3A_60 = tpu.memref_slice %arg6[%dma_start3A, %dma_start3A_58, %dma_start3A_59] : memref<2x1664x16xf32, #tpu.memory_space<vmem>> -> memref<1x1664x16xf32, #tpu.memory_space<vmem>>
    %dma_start3A_61 = tpu.memref_squeeze %dma_start3A_60 : memref<1x1664x16xf32, #tpu.memory_space<vmem>> -> memref<1664x16xf32, #tpu.memory_space<vmem>>
    %dma_start3A_62 = arith.constant 0 : i32
    %dma_start3A_63 = tpu.memref_slice %arg2[%mul3A_57, %dma_start3A_62] : memref<320000x16xf32, #tpu.memory_space<hbm>> -> memref<1664x16xf32, #tpu.memory_space<hbm>>
    %dma_start3A_64 = arith.constant 0 : i32
    %dma_start3A_65 = arith.constant 0 : i32
    %dma_start3A_66 = tpu.memref_slice %arg6[%dma_start3A, %dma_start3A_64, %dma_start3A_65] : memref<2x1664x16xf32, #tpu.memory_space<vmem>> -> memref<1x1664x16xf32, #tpu.memory_space<vmem>>
    %dma_start3A_67 = tpu.memref_squeeze %dma_start3A_66 : memref<1x1664x16xf32, #tpu.memory_space<vmem>> -> memref<1664x16xf32, #tpu.memory_space<vmem>>
    %dma_start3A_68 = arith.constant 0 : i32
    %dma_start3A_69 = tpu.memref_slice %arg2[%mul3A_57, %dma_start3A_68] : memref<320000x16xf32, #tpu.memory_space<hbm>> -> memref<1664x16xf32, #tpu.memory_space<hbm>>
    tpu.enqueue_dma source(%dma_start3A_69 : memref<1664x16xf32, #tpu.memory_space<hbm>>) target(%dma_start3A_67 : memref<1664x16xf32, #tpu.memory_space<vmem>>) target_semaphore(%arg15 : memref<!tpu.dma_semaphore, #tpu.memory_space<semaphore_mem>>)
    %dma_wait3A = arith.constant 0 : i32
    %dma_wait3A_70 = arith.constant 0 : i32
    %dma_wait3A_71 = arith.constant 0 : i32
    %dma_wait3A_72 = tpu.memref_slice %arg6[%dma_wait3A, %dma_wait3A_70, %dma_wait3A_71] : memref<2x1664x16xf32, #tpu.memory_space<vmem>> -> memref<1x1664x16xf32, #tpu.memory_space<vmem>>
    %dma_wait3A_73 = tpu.memref_squeeze %dma_wait3A_72 : memref<1x1664x16xf32, #tpu.memory_space<vmem>> -> memref<1664x16xf32, #tpu.memory_space<vmem>>
    %dma_wait3A_74 = arith.constant 0 : i32
    %dma_wait3A_75 = tpu.memref_slice %arg2[%mul3A_57, %dma_wait3A_74] : memref<320000x16xf32, #tpu.memory_space<hbm>> -> memref<1664x16xf32, #tpu.memory_space<hbm>>
    %dma_wait3A_76 = arith.constant 0 : i32
    %dma_wait3A_77 = arith.constant 0 : i32
    %dma_wait3A_78 = tpu.memref_slice %arg6[%dma_wait3A, %dma_wait3A_76, %dma_wait3A_77] : memref<2x1664x16xf32, #tpu.memory_space<vmem>> -> memref<1x1664x16xf32, #tpu.memory_space<vmem>>
    %dma_wait3A_79 = tpu.memref_squeeze %dma_wait3A_78 : memref<1x1664x16xf32, #tpu.memory_space<vmem>> -> memref<1664x16xf32, #tpu.memory_space<vmem>>
    %dma_wait3A_80 = arith.constant 0 : i32
    %dma_wait3A_81 = tpu.memref_slice %arg2[%mul3A_57, %dma_wait3A_80] : memref<320000x16xf32, #tpu.memory_space<hbm>> -> memref<1664x16xf32, #tpu.memory_space<hbm>>
    tpu.wait_dma2 semaphore(%arg15 : memref<!tpu.dma_semaphore, #tpu.memory_space<semaphore_mem>>) src(%dma_wait3A_81 : memref<1664x16xf32, #tpu.memory_space<hbm>>) dst(%dma_wait3A_79 : memref<1664x16xf32, #tpu.memory_space<vmem>>)
    %scan3A_82 = arith.constant 0 : i32
    %scan3A_83 = arith.constant 0 : i32
    %scan3A_84 = arith.constant 6 : i32
    %scan3A_85 = arith.addi %scan3A_83, %scan3A_84 : i32
    %scan3A_86 = arith.constant 1 : i32
    %scan3A_87 = scf.for %scan3A_95 = %scan3A_83 to %scan3A_85 step %scan3A_86 iter_args(%scan3A_96 = %scan3A_82) -> (i32)  : i32 {
      %rem3A = arith.constant 2 : i32
      %rem3A_97 = arith.remsi %scan3A_95, %rem3A : i32
      %scan3A_98 = arith.constant 0 : i32
      %scan3A_99 = arith.constant 0 : i32
      %scan3A_100 = arith.constant 13 : i32
      %scan3A_101 = arith.addi %scan3A_99, %scan3A_100 : i32
      %scan3A_102 = arith.constant 1 : i32
      %scan3A_103 = scf.for %scan3A_127 = %scan3A_99 to %scan3A_101 step %scan3A_102 iter_args(%scan3A_128 = %scan3A_98) -> (i32)  : i32 {
        %mul3A_129 = arith.constant 13 : i32
        %mul3A_130 = arith.muli %scan3A_95, %mul3A_129 : i32
        %add3A_131 = arith.addi %mul3A_130, %scan3A_127 : i32
        %mul3A_132 = arith.constant 128 : i32
        %mul3A_133 = arith.muli %scan3A_127, %mul3A_132 : i32
        %dma_start3A_134 = arith.constant 1 : i32
        %dma_start3A_135 = arith.constant 0 : i32
        %dma_start3A_136 = arith.constant 0 : i32
        %dma_start3A_137 = tpu.memref_slice %arg6[%rem3A_97, %dma_start3A_135, %dma_start3A_136] : memref<2x1664x16xf32, #tpu.memory_space<vmem>> -> memref<1x1664x16xf32, #tpu.memory_space<vmem>>
        %dma_start3A_138 = tpu.memref_squeeze %dma_start3A_137 : memref<1x1664x16xf32, #tpu.memory_space<vmem>> -> memref<1664x16xf32, #tpu.memory_space<vmem>>
        %dma_start3A_139 = arith.constant 0 : i32
        %dma_start3A_140 = tpu.memref_slice %dma_start3A_138[%mul3A_133, %dma_start3A_139] : memref<1664x16xf32, #tpu.memory_space<vmem>> -> memref<128x16xf32, #tpu.memory_space<vmem>>
        %dma_start3A_141 = arith.constant 0 : i32
        %dma_start3A_142 = tpu.memref_slice %arg7[%add3A_131, %dma_start3A_134, %dma_start3A_141] : memref<79x2x128xi32, #tpu.memory_space<vmem>> -> memref<1x1x128xi32, #tpu.memory_space<vmem>>
        %dma_start3A_143 = tpu.memref_squeeze %dma_start3A_142 : memref<1x1x128xi32, #tpu.memory_space<vmem>> -> memref<128xi32, #tpu.memory_space<vmem>>
        %dma_start3A_144 = arith.constant 0 : i32
        %dma_start3A_145 = arith.constant 0 : i32
        %dma_start3A_146 = tpu.memref_slice %arg11[%dma_start3A_144, %dma_start3A_145] : memref<10240x16xf32, #tpu.memory_space<vmem_shared>> -> memref<10240x16xf32, #tpu.memory_space<vmem_shared>>
        tpu.enqueue_indirect_dma source(%dma_start3A_140 : memref<128x16xf32, #tpu.memory_space<vmem>>) target(%dma_start3A_146 : memref<10240x16xf32, #tpu.memory_space<vmem_shared>>) offsets(%dma_start3A_143 : memref<128xi32, #tpu.memory_space<vmem>>) semaphore(%arg13 : memref<!tpu.dma_semaphore, #tpu.memory_space<semaphore_mem>>) {add = true}
        %dma_start3A_147 = arith.constant 1 : i32
        %dma_start3A_148 = arith.constant 0 : i32
        %dma_start3A_149 = tpu.memref_slice %arg7[%add3A_131, %dma_start3A_147, %dma_start3A_148] : memref<79x2x128xi32, #tpu.memory_space<vmem>> -> memref<1x1x128xi32, #tpu.memory_space<vmem>>
        %dma_start3A_150 = tpu.memref_squeeze %dma_start3A_149 : memref<1x1x128xi32, #tpu.memory_space<vmem>> -> memref<128xi32, #tpu.memory_space<vmem>>
        %dma_start3A_151 = arith.constant 0 : i32
        %dma_start3A_152 = tpu.memref_slice %arg12[%dma_start3A_151] : memref<10240xf32, #tpu.memory_space<vmem_shared>> -> memref<10240xf32, #tpu.memory_space<vmem_shared>>
        tpu.enqueue_indirect_dma source(%arg8 : memref<128xf32, #tpu.memory_space<vmem>>) target(%dma_start3A_152 : memref<10240xf32, #tpu.memory_space<vmem_shared>>) offsets(%dma_start3A_150 : memref<128xi32, #tpu.memory_space<vmem>>) semaphore(%arg14 : memref<!tpu.dma_semaphore, #tpu.memory_space<semaphore_mem>>) {add = true}
        %scan3A_153 = arith.constant 0 : i32
        scf.yield %scan3A_153 : i32
      }
      %scan3A_104 = arith.constant 13 : i32
      %add3A_105 = arith.constant 1 : i32
      %add3A_106 = arith.addi %scan3A_95, %add3A_105 : i32
      %lt3A_107 = arith.constant 6 : i32
      %lt3A_108 = arith.cmpi slt, %add3A_106, %lt3A_107 : i32
      %convert_element_type3A_109 = arith.extui %lt3A_108 : i1 to i32
      %cond3A_110 = arith.constant 0 : i32
      %cond3A_111 = arith.cmpi ne, %convert_element_type3A_109, %cond3A_110 : i32
      scf.if %cond3A_111 {
        %add3A_127 = arith.constant 1 : i32
        %add3A_128 = arith.addi %scan3A_95, %add3A_127 : i32
        %sub3A = arith.constant 1 : i32
        %sub3A_129 = arith.subi %sub3A, %rem3A_97 : i32
        %mul3A_130 = arith.constant 13 : i32
        %mul3A_131 = arith.muli %add3A_128, %mul3A_130 : i32
        %add3A_132 = arith.addi %add3A_4, %mul3A_131 : i32
        %mul3A_133 = arith.constant 128 : i32
        %mul3A_134 = arith.muli %add3A_132, %mul3A_133 : i32
        %dma_start3A_135 = arith.constant 0 : i32
        %dma_start3A_136 = arith.constant 0 : i32
        %dma_start3A_137 = tpu.memref_slice %arg6[%sub3A_129, %dma_start3A_135, %dma_start3A_136] : memref<2x1664x16xf32, #tpu.memory_space<vmem>> -> memref<1x1664x16xf32, #tpu.memory_space<vmem>>
        %dma_start3A_138 = tpu.memref_squeeze %dma_start3A_137 : memref<1x1664x16xf32, #tpu.memory_space<vmem>> -> memref<1664x16xf32, #tpu.memory_space<vmem>>
        %dma_start3A_139 = arith.constant 0 : i32
        %dma_start3A_140 = tpu.memref_slice %arg2[%mul3A_134, %dma_start3A_139] : memref<320000x16xf32, #tpu.memory_space<hbm>> -> memref<1664x16xf32, #tpu.memory_space<hbm>>
        %dma_start3A_141 = arith.constant 0 : i32
        %dma_start3A_142 = arith.constant 0 : i32
        %dma_start3A_143 = tpu.memref_slice %arg6[%sub3A_129, %dma_start3A_141, %dma_start3A_142] : memref<2x1664x16xf32, #tpu.memory_space<vmem>> -> memref<1x1664x16xf32, #tpu.memory_space<vmem>>
        %dma_start3A_144 = tpu.memref_squeeze %dma_start3A_143 : memref<1x1664x16xf32, #tpu.memory_space<vmem>> -> memref<1664x16xf32, #tpu.memory_space<vmem>>
        %dma_start3A_145 = arith.constant 0 : i32
        %dma_start3A_146 = tpu.memref_slice %arg2[%mul3A_134, %dma_start3A_145] : memref<320000x16xf32, #tpu.memory_space<hbm>> -> memref<1664x16xf32, #tpu.memory_space<hbm>>
        tpu.enqueue_dma source(%dma_start3A_146 : memref<1664x16xf32, #tpu.memory_space<hbm>>) target(%dma_start3A_144 : memref<1664x16xf32, #tpu.memory_space<vmem>>) target_semaphore(%arg15 : memref<!tpu.dma_semaphore, #tpu.memory_space<semaphore_mem>>)
      } else {
      }
      %scan3A_112 = arith.constant 0 : i32
      %scan3A_113 = arith.constant 0 : i32
      %scan3A_114 = arith.constant 13 : i32
      %scan3A_115 = arith.addi %scan3A_113, %scan3A_114 : i32
      %scan3A_116 = arith.constant 1 : i32
      %scan3A_117 = scf.for %scan3A_127 = %scan3A_113 to %scan3A_115 step %scan3A_116 iter_args(%scan3A_128 = %scan3A_112) -> (i32)  : i32 {
        %mul3A_129 = arith.constant 13 : i32
        %mul3A_130 = arith.muli %scan3A_95, %mul3A_129 : i32
        %add3A_131 = arith.addi %mul3A_130, %scan3A_127 : i32
        %mul3A_132 = arith.constant 128 : i32
        %mul3A_133 = arith.muli %scan3A_127, %mul3A_132 : i32
        %dma_wait3A_134 = arith.constant 1 : i32
        %dma_wait3A_135 = arith.constant 0 : i32
        %dma_wait3A_136 = arith.constant 0 : i32
        %dma_wait3A_137 = tpu.memref_slice %arg6[%rem3A_97, %dma_wait3A_135, %dma_wait3A_136] : memref<2x1664x16xf32, #tpu.memory_space<vmem>> -> memref<1x1664x16xf32, #tpu.memory_space<vmem>>
        %dma_wait3A_138 = tpu.memref_squeeze %dma_wait3A_137 : memref<1x1664x16xf32, #tpu.memory_space<vmem>> -> memref<1664x16xf32, #tpu.memory_space<vmem>>
        %dma_wait3A_139 = arith.constant 0 : i32
        %dma_wait3A_140 = tpu.memref_slice %dma_wait3A_138[%mul3A_133, %dma_wait3A_139] : memref<1664x16xf32, #tpu.memory_space<vmem>> -> memref<128x16xf32, #tpu.memory_space<vmem>>
        %dma_wait3A_141 = arith.constant 0 : i32
        %dma_wait3A_142 = tpu.memref_slice %arg7[%add3A_131, %dma_wait3A_134, %dma_wait3A_141] : memref<79x2x128xi32, #tpu.memory_space<vmem>> -> memref<1x1x128xi32, #tpu.memory_space<vmem>>
        %dma_wait3A_143 = tpu.memref_squeeze %dma_wait3A_142 : memref<1x1x128xi32, #tpu.memory_space<vmem>> -> memref<128xi32, #tpu.memory_space<vmem>>
        %dma_wait3A_144 = arith.constant 0 : i32
        %dma_wait3A_145 = arith.constant 0 : i32
        %dma_wait3A_146 = tpu.memref_slice %arg11[%dma_wait3A_144, %dma_wait3A_145] : memref<10240x16xf32, #tpu.memory_space<vmem_shared>> -> memref<10240x16xf32, #tpu.memory_space<vmem_shared>>
        tpu.wait_indirect_dma semaphore(%arg13 : memref<!tpu.dma_semaphore, #tpu.memory_space<semaphore_mem>>) src(%dma_wait3A_140 : memref<128x16xf32, #tpu.memory_space<vmem>>) dst(%dma_wait3A_146 : memref<10240x16xf32, #tpu.memory_space<vmem_shared>>)
        %dma_wait3A_147 = arith.constant 1 : i32
        %dma_wait3A_148 = arith.constant 0 : i32
        %dma_wait3A_149 = tpu.memref_slice %arg7[%add3A_131, %dma_wait3A_147, %dma_wait3A_148] : memref<79x2x128xi32, #tpu.memory_space<vmem>> -> memref<1x1x128xi32, #tpu.memory_space<vmem>>
        %dma_wait3A_150 = tpu.memref_squeeze %dma_wait3A_149 : memref<1x1x128xi32, #tpu.memory_space<vmem>> -> memref<128xi32, #tpu.memory_space<vmem>>
        %dma_wait3A_151 = arith.constant 0 : i32
        %dma_wait3A_152 = tpu.memref_slice %arg12[%dma_wait3A_151] : memref<10240xf32, #tpu.memory_space<vmem_shared>> -> memref<10240xf32, #tpu.memory_space<vmem_shared>>
        tpu.wait_indirect_dma semaphore(%arg14 : memref<!tpu.dma_semaphore, #tpu.memory_space<semaphore_mem>>) src(%arg8 : memref<128xf32, #tpu.memory_space<vmem>>) dst(%dma_wait3A_152 : memref<10240xf32, #tpu.memory_space<vmem_shared>>)
        %scan3A_153 = arith.constant 0 : i32
        scf.yield %scan3A_153 : i32
      }
      %scan3A_118 = arith.constant 13 : i32
      %add3A_119 = arith.constant 1 : i32
      %add3A_120 = arith.addi %scan3A_95, %add3A_119 : i32
      %lt3A_121 = arith.constant 6 : i32
      %lt3A_122 = arith.cmpi slt, %add3A_120, %lt3A_121 : i32
      %convert_element_type3A_123 = arith.extui %lt3A_122 : i1 to i32
      %cond3A_124 = arith.constant 0 : i32
      %cond3A_125 = arith.cmpi ne, %convert_element_type3A_123, %cond3A_124 : i32
      scf.if %cond3A_125 {
        %mul3A_127 = arith.constant 128 : i32
        %mul3A_128 = arith.muli %add3A_4, %mul3A_127 : i32
        %sub3A = arith.constant 1 : i32
        %sub3A_129 = arith.subi %sub3A, %rem3A_97 : i32
        %dma_wait3A_130 = arith.constant 0 : i32
        %dma_wait3A_131 = arith.constant 0 : i32
        %dma_wait3A_132 = tpu.memref_slice %arg6[%sub3A_129, %dma_wait3A_130, %dma_wait3A_131] : memref<2x1664x16xf32, #tpu.memory_space<vmem>> -> memref<1x1664x16xf32, #tpu.memory_space<vmem>>
        %dma_wait3A_133 = tpu.memref_squeeze %dma_wait3A_132 : memref<1x1664x16xf32, #tpu.memory_space<vmem>> -> memref<1664x16xf32, #tpu.memory_space<vmem>>
        %dma_wait3A_134 = arith.constant 0 : i32
        %dma_wait3A_135 = tpu.memref_slice %arg2[%mul3A_128, %dma_wait3A_134] : memref<320000x16xf32, #tpu.memory_space<hbm>> -> memref<1664x16xf32, #tpu.memory_space<hbm>>
        %dma_wait3A_136 = arith.constant 0 : i32
        %dma_wait3A_137 = arith.constant 0 : i32
        %dma_wait3A_138 = tpu.memref_slice %arg6[%sub3A_129, %dma_wait3A_136, %dma_wait3A_137] : memref<2x1664x16xf32, #tpu.memory_space<vmem>> -> memref<1x1664x16xf32, #tpu.memory_space<vmem>>
        %dma_wait3A_139 = tpu.memref_squeeze %dma_wait3A_138 : memref<1x1664x16xf32, #tpu.memory_space<vmem>> -> memref<1664x16xf32, #tpu.memory_space<vmem>>
        %dma_wait3A_140 = arith.constant 0 : i32
        %dma_wait3A_141 = tpu.memref_slice %arg2[%mul3A_128, %dma_wait3A_140] : memref<320000x16xf32, #tpu.memory_space<hbm>> -> memref<1664x16xf32, #tpu.memory_space<hbm>>
        tpu.wait_dma2 semaphore(%arg15 : memref<!tpu.dma_semaphore, #tpu.memory_space<semaphore_mem>>) src(%dma_wait3A_141 : memref<1664x16xf32, #tpu.memory_space<hbm>>) dst(%dma_wait3A_139 : memref<1664x16xf32, #tpu.memory_space<vmem>>)
      } else {
      }
      %scan3A_126 = arith.constant 0 : i32
      scf.yield %scan3A_126 : i32
    }
    %scan3A_88 = arith.constant 6 : i32
    %lt3A = arith.constant 4 : i32
    %lt3A_89 = arith.cmpi slt, %add3A, %lt3A : i32
    %convert_element_type3A = arith.extui %lt3A_89 : i1 to i32
    %cond3A = arith.constant 0 : i32
    %cond3A_90 = arith.cmpi ne, %convert_element_type3A, %cond3A : i32
    scf.if %cond3A_90 {
      %add3A_95 = arith.constant 78 : i32
      %add3A_96 = arith.addi %add3A_4, %add3A_95 : i32
      "tpu.region"() ({
        %run_scoped3A_104 = tpu.sem_alloc : memref<!tpu.dma_semaphore, #tpu.memory_space<semaphore_mem>>
        %dma_start3A_105 = arith.constant 78 : i32
        %dma_start3A_106 = arith.constant 0 : i32
        %dma_start3A_107 = arith.constant 0 : i32
        %dma_start3A_108 = tpu.memref_slice %arg7[%dma_start3A_105, %dma_start3A_106, %dma_start3A_107] : memref<79x2x128xi32, #tpu.memory_space<vmem>> -> memref<1x2x128xi32, #tpu.memory_space<vmem>>
        %dma_start3A_109 = arith.constant 0 : i32
        %dma_start3A_110 = arith.constant 0 : i32
        %dma_start3A_111 = tpu.memref_slice %arg3[%add3A_96, %dma_start3A_109, %dma_start3A_110] : memref<2500x2x128xi32, #tpu.memory_space<hbm>> -> memref<1x2x128xi32, #tpu.memory_space<hbm>>
        %dma_start3A_112 = arith.constant 78 : i32
        %dma_start3A_113 = arith.constant 0 : i32
        %dma_start3A_114 = arith.constant 0 : i32
        %dma_start3A_115 = tpu.memref_slice %arg7[%dma_start3A_112, %dma_start3A_113, %dma_start3A_114] : memref<79x2x128xi32, #tpu.memory_space<vmem>> -> memref<1x2x128xi32, #tpu.memory_space<vmem>>
        %dma_start3A_116 = arith.constant 0 : i32
        %dma_start3A_117 = arith.constant 0 : i32
        %dma_start3A_118 = tpu.memref_slice %arg3[%add3A_96, %dma_start3A_116, %dma_start3A_117] : memref<2500x2x128xi32, #tpu.memory_space<hbm>> -> memref<1x2x128xi32, #tpu.memory_space<hbm>>
        tpu.enqueue_dma source(%dma_start3A_118 : memref<1x2x128xi32, #tpu.memory_space<hbm>>) target(%dma_start3A_115 : memref<1x2x128xi32, #tpu.memory_space<vmem>>) target_semaphore(%run_scoped3A_104 : memref<!tpu.dma_semaphore, #tpu.memory_space<semaphore_mem>>)
        %dma_wait3A_119 = arith.constant 78 : i32
        %dma_wait3A_120 = arith.constant 0 : i32
        %dma_wait3A_121 = arith.constant 0 : i32
        %dma_wait3A_122 = tpu.memref_slice %arg7[%dma_wait3A_119, %dma_wait3A_120, %dma_wait3A_121] : memref<79x2x128xi32, #tpu.memory_space<vmem>> -> memref<1x2x128xi32, #tpu.memory_space<vmem>>
        %dma_wait3A_123 = arith.constant 0 : i32
        %dma_wait3A_124 = arith.constant 0 : i32
        %dma_wait3A_125 = tpu.memref_slice %arg3[%add3A_96, %dma_wait3A_123, %dma_wait3A_124] : memref<2500x2x128xi32, #tpu.memory_space<hbm>> -> memref<1x2x128xi32, #tpu.memory_space<hbm>>
        %dma_wait3A_126 = arith.constant 78 : i32
        %dma_wait3A_127 = arith.constant 0 : i32
        %dma_wait3A_128 = arith.constant 0 : i32
        %dma_wait3A_129 = tpu.memref_slice %arg7[%dma_wait3A_126, %dma_wait3A_127, %dma_wait3A_128] : memref<79x2x128xi32, #tpu.memory_space<vmem>> -> memref<1x2x128xi32, #tpu.memory_space<vmem>>
        %dma_wait3A_130 = arith.constant 0 : i32
        %dma_wait3A_131 = arith.constant 0 : i32
        %dma_wait3A_132 = tpu.memref_slice %arg3[%add3A_96, %dma_wait3A_130, %dma_wait3A_131] : memref<2500x2x128xi32, #tpu.memory_space<hbm>> -> memref<1x2x128xi32, #tpu.memory_space<hbm>>
        tpu.wait_dma2 semaphore(%run_scoped3A_104 : memref<!tpu.dma_semaphore, #tpu.memory_space<semaphore_mem>>) src(%dma_wait3A_132 : memref<1x2x128xi32, #tpu.memory_space<hbm>>) dst(%dma_wait3A_129 : memref<1x2x128xi32, #tpu.memory_space<vmem>>)
        tpu.yield
      }) : () -> ()
      %mul3A_97 = arith.constant 128 : i32
      %mul3A_98 = arith.muli %add3A_96, %mul3A_97 : i32
      %run_scoped3A = arith.constant 0 : i32
      "tpu.region"() ({
        %run_scoped3A_104 = tpu.sem_alloc : memref<!tpu.dma_semaphore, #tpu.memory_space<semaphore_mem>>
        %dma_start3A_105 = arith.constant 0 : i32
        %dma_start3A_106 = arith.constant 0 : i32
        %dma_start3A_107 = tpu.memref_slice %arg6[%run_scoped3A, %dma_start3A_105, %dma_start3A_106] : memref<2x1664x16xf32, #tpu.memory_space<vmem>> -> memref<1x128x16xf32, #tpu.memory_space<vmem>>
        %dma_start3A_108 = tpu.memref_squeeze %dma_start3A_107 : memref<1x128x16xf32, #tpu.memory_space<vmem>> -> memref<128x16xf32, #tpu.memory_space<vmem>>
        %dma_start3A_109 = arith.constant 0 : i32
        %dma_start3A_110 = tpu.memref_slice %arg2[%mul3A_98, %dma_start3A_109] : memref<320000x16xf32, #tpu.memory_space<hbm>> -> memref<128x16xf32, #tpu.memory_space<hbm>>
        %dma_start3A_111 = arith.constant 0 : i32
        %dma_start3A_112 = arith.constant 0 : i32
        %dma_start3A_113 = tpu.memref_slice %arg6[%run_scoped3A, %dma_start3A_111, %dma_start3A_112] : memref<2x1664x16xf32, #tpu.memory_space<vmem>> -> memref<1x128x16xf32, #tpu.memory_space<vmem>>
        %dma_start3A_114 = tpu.memref_squeeze %dma_start3A_113 : memref<1x128x16xf32, #tpu.memory_space<vmem>> -> memref<128x16xf32, #tpu.memory_space<vmem>>
        %dma_start3A_115 = arith.constant 0 : i32
        %dma_start3A_116 = tpu.memref_slice %arg2[%mul3A_98, %dma_start3A_115] : memref<320000x16xf32, #tpu.memory_space<hbm>> -> memref<128x16xf32, #tpu.memory_space<hbm>>
        tpu.enqueue_dma source(%dma_start3A_116 : memref<128x16xf32, #tpu.memory_space<hbm>>) target(%dma_start3A_114 : memref<128x16xf32, #tpu.memory_space<vmem>>) target_semaphore(%run_scoped3A_104 : memref<!tpu.dma_semaphore, #tpu.memory_space<semaphore_mem>>)
        %dma_wait3A_117 = arith.constant 0 : i32
        %dma_wait3A_118 = arith.constant 0 : i32
        %dma_wait3A_119 = tpu.memref_slice %arg6[%run_scoped3A, %dma_wait3A_117, %dma_wait3A_118] : memref<2x1664x16xf32, #tpu.memory_space<vmem>> -> memref<1x128x16xf32, #tpu.memory_space<vmem>>
        %dma_wait3A_120 = tpu.memref_squeeze %dma_wait3A_119 : memref<1x128x16xf32, #tpu.memory_space<vmem>> -> memref<128x16xf32, #tpu.memory_space<vmem>>
        %dma_wait3A_121 = arith.constant 0 : i32
        %dma_wait3A_122 = tpu.memref_slice %arg2[%mul3A_98, %dma_wait3A_121] : memref<320000x16xf32, #tpu.memory_space<hbm>> -> memref<128x16xf32, #tpu.memory_space<hbm>>
        %dma_wait3A_123 = arith.constant 0 : i32
        %dma_wait3A_124 = arith.constant 0 : i32
        %dma_wait3A_125 = tpu.memref_slice %arg6[%run_scoped3A, %dma_wait3A_123, %dma_wait3A_124] : memref<2x1664x16xf32, #tpu.memory_space<vmem>> -> memref<1x128x16xf32, #tpu.memory_space<vmem>>
        %dma_wait3A_126 = tpu.memref_squeeze %dma_wait3A_125 : memref<1x128x16xf32, #tpu.memory_space<vmem>> -> memref<128x16xf32, #tpu.memory_space<vmem>>
        %dma_wait3A_127 = arith.constant 0 : i32
        %dma_wait3A_128 = tpu.memref_slice %arg2[%mul3A_98, %dma_wait3A_127] : memref<320000x16xf32, #tpu.memory_space<hbm>> -> memref<128x16xf32, #tpu.memory_space<hbm>>
        tpu.wait_dma2 semaphore(%run_scoped3A_104 : memref<!tpu.dma_semaphore, #tpu.memory_space<semaphore_mem>>) src(%dma_wait3A_128 : memref<128x16xf32, #tpu.memory_space<hbm>>) dst(%dma_wait3A_126 : memref<128x16xf32, #tpu.memory_space<vmem>>)
        tpu.yield
      }) : () -> ()
      %run_scoped3A_99 = arith.constant 0 : i32
      %run_scoped3A_100 = arith.constant 78 : i32
      %run_scoped3A_101 = arith.constant 1 : i32
      "tpu.region"() ({
        %run_scoped3A_104 = tpu.sem_alloc : memref<!tpu.dma_semaphore, #tpu.memory_space<semaphore_mem>>
        %dma_start3A_105 = arith.constant 0 : i32
        %dma_start3A_106 = arith.constant 0 : i32
        %dma_start3A_107 = tpu.memref_slice %arg6[%run_scoped3A_99, %dma_start3A_105, %dma_start3A_106] : memref<2x1664x16xf32, #tpu.memory_space<vmem>> -> memref<1x128x16xf32, #tpu.memory_space<vmem>>
        %dma_start3A_108 = tpu.memref_squeeze %dma_start3A_107 : memref<1x128x16xf32, #tpu.memory_space<vmem>> -> memref<128x16xf32, #tpu.memory_space<vmem>>
        %dma_start3A_109 = arith.constant 0 : i32
        %dma_start3A_110 = tpu.memref_slice %arg7[%run_scoped3A_100, %run_scoped3A_101, %dma_start3A_109] : memref<79x2x128xi32, #tpu.memory_space<vmem>> -> memref<1x1x128xi32, #tpu.memory_space<vmem>>
        %dma_start3A_111 = tpu.memref_squeeze %dma_start3A_110 : memref<1x1x128xi32, #tpu.memory_space<vmem>> -> memref<128xi32, #tpu.memory_space<vmem>>
        %dma_start3A_112 = arith.constant 0 : i32
        %dma_start3A_113 = arith.constant 0 : i32
        %dma_start3A_114 = tpu.memref_slice %arg11[%dma_start3A_112, %dma_start3A_113] : memref<10240x16xf32, #tpu.memory_space<vmem_shared>> -> memref<10240x16xf32, #tpu.memory_space<vmem_shared>>
        tpu.enqueue_indirect_dma source(%dma_start3A_108 : memref<128x16xf32, #tpu.memory_space<vmem>>) target(%dma_start3A_114 : memref<10240x16xf32, #tpu.memory_space<vmem_shared>>) offsets(%dma_start3A_111 : memref<128xi32, #tpu.memory_space<vmem>>) semaphore(%run_scoped3A_104 : memref<!tpu.dma_semaphore, #tpu.memory_space<semaphore_mem>>) {add = true}
        %dma_wait3A_115 = arith.constant 0 : i32
        %dma_wait3A_116 = arith.constant 0 : i32
        %dma_wait3A_117 = tpu.memref_slice %arg6[%run_scoped3A_99, %dma_wait3A_115, %dma_wait3A_116] : memref<2x1664x16xf32, #tpu.memory_space<vmem>> -> memref<1x128x16xf32, #tpu.memory_space<vmem>>
        %dma_wait3A_118 = tpu.memref_squeeze %dma_wait3A_117 : memref<1x128x16xf32, #tpu.memory_space<vmem>> -> memref<128x16xf32, #tpu.memory_space<vmem>>
        %dma_wait3A_119 = arith.constant 0 : i32
        %dma_wait3A_120 = tpu.memref_slice %arg7[%run_scoped3A_100, %run_scoped3A_101, %dma_wait3A_119] : memref<79x2x128xi32, #tpu.memory_space<vmem>> -> memref<1x1x128xi32, #tpu.memory_space<vmem>>
        %dma_wait3A_121 = tpu.memref_squeeze %dma_wait3A_120 : memref<1x1x128xi32, #tpu.memory_space<vmem>> -> memref<128xi32, #tpu.memory_space<vmem>>
        %dma_wait3A_122 = arith.constant 0 : i32
        %dma_wait3A_123 = arith.constant 0 : i32
        %dma_wait3A_124 = tpu.memref_slice %arg11[%dma_wait3A_122, %dma_wait3A_123] : memref<10240x16xf32, #tpu.memory_space<vmem_shared>> -> memref<10240x16xf32, #tpu.memory_space<vmem_shared>>
        tpu.wait_indirect_dma semaphore(%run_scoped3A_104 : memref<!tpu.dma_semaphore, #tpu.memory_space<semaphore_mem>>) src(%dma_wait3A_118 : memref<128x16xf32, #tpu.memory_space<vmem>>) dst(%dma_wait3A_124 : memref<10240x16xf32, #tpu.memory_space<vmem_shared>>)
        tpu.yield
      }) : () -> ()
      %run_scoped3A_102 = arith.constant 78 : i32
      %run_scoped3A_103 = arith.constant 1 : i32
      "tpu.region"() ({
        %run_scoped3A_104 = tpu.sem_alloc : memref<!tpu.dma_semaphore, #tpu.memory_space<semaphore_mem>>
        %dma_start3A_105 = arith.constant 0 : i32
        %dma_start3A_106 = tpu.memref_slice %arg7[%run_scoped3A_102, %run_scoped3A_103, %dma_start3A_105] : memref<79x2x128xi32, #tpu.memory_space<vmem>> -> memref<1x1x128xi32, #tpu.memory_space<vmem>>
        %dma_start3A_107 = tpu.memref_squeeze %dma_start3A_106 : memref<1x1x128xi32, #tpu.memory_space<vmem>> -> memref<128xi32, #tpu.memory_space<vmem>>
        %dma_start3A_108 = arith.constant 0 : i32
        %dma_start3A_109 = tpu.memref_slice %arg12[%dma_start3A_108] : memref<10240xf32, #tpu.memory_space<vmem_shared>> -> memref<10240xf32, #tpu.memory_space<vmem_shared>>
        tpu.enqueue_indirect_dma source(%arg8 : memref<128xf32, #tpu.memory_space<vmem>>) target(%dma_start3A_109 : memref<10240xf32, #tpu.memory_space<vmem_shared>>) offsets(%dma_start3A_107 : memref<128xi32, #tpu.memory_space<vmem>>) semaphore(%run_scoped3A_104 : memref<!tpu.dma_semaphore, #tpu.memory_space<semaphore_mem>>) {add = true}
        %dma_wait3A_110 = arith.constant 0 : i32
        %dma_wait3A_111 = tpu.memref_slice %arg7[%run_scoped3A_102, %run_scoped3A_103, %dma_wait3A_110] : memref<79x2x128xi32, #tpu.memory_space<vmem>> -> memref<1x1x128xi32, #tpu.memory_space<vmem>>
        %dma_wait3A_112 = tpu.memref_squeeze %dma_wait3A_111 : memref<1x1x128xi32, #tpu.memory_space<vmem>> -> memref<128xi32, #tpu.memory_space<vmem>>
        %dma_wait3A_113 = arith.constant 0 : i32
        %dma_wait3A_114 = tpu.memref_slice %arg12[%dma_wait3A_113] : memref<10240xf32, #tpu.memory_space<vmem_shared>> -> memref<10240xf32, #tpu.memory_space<vmem_shared>>
        tpu.wait_indirect_dma semaphore(%run_scoped3A_104 : memref<!tpu.dma_semaphore, #tpu.memory_space<semaphore_mem>>) src(%arg8 : memref<128xf32, #tpu.memory_space<vmem>>) dst(%dma_wait3A_114 : memref<10240xf32, #tpu.memory_space<vmem_shared>>)
        tpu.yield
      }) : () -> ()
    } else {
    }
    %barrier3A_91 = arith.constant 0 : index
    tpu.barrier barrier_id(%barrier3A_91)
    "tpu.region"() ({
      %run_scoped3A = tpu.sem_alloc : memref<!tpu.dma_semaphore, #tpu.memory_space<semaphore_mem>>
      %dma_start3A_95 = arith.constant 0 : i32
      %dma_start3A_96 = tpu.memref_slice %arg11[%mul3A_53, %dma_start3A_95] : memref<10240x16xf32, #tpu.memory_space<vmem_shared>> -> memref<640x16xf32, #tpu.memory_space<vmem_shared>>
      %dma_start3A_97 = arith.constant 0 : i32
      %dma_start3A_98 = tpu.memref_slice %arg11[%mul3A_53, %dma_start3A_97] : memref<10240x16xf32, #tpu.memory_space<vmem_shared>> -> memref<640x16xf32, #tpu.memory_space<vmem_shared>>
      tpu.enqueue_dma source(%dma_start3A_98 : memref<640x16xf32, #tpu.memory_space<vmem_shared>>) target(%arg9 : memref<640x16xf32, #tpu.memory_space<vmem>>) target_semaphore(%run_scoped3A : memref<!tpu.dma_semaphore, #tpu.memory_space<semaphore_mem>>)
      %dma_wait3A_99 = arith.constant 0 : i32
      %dma_wait3A_100 = tpu.memref_slice %arg11[%mul3A_53, %dma_wait3A_99] : memref<10240x16xf32, #tpu.memory_space<vmem_shared>> -> memref<640x16xf32, #tpu.memory_space<vmem_shared>>
      %dma_wait3A_101 = arith.constant 0 : i32
      %dma_wait3A_102 = tpu.memref_slice %arg11[%mul3A_53, %dma_wait3A_101] : memref<10240x16xf32, #tpu.memory_space<vmem_shared>> -> memref<640x16xf32, #tpu.memory_space<vmem_shared>>
      tpu.wait_dma2 semaphore(%run_scoped3A : memref<!tpu.dma_semaphore, #tpu.memory_space<semaphore_mem>>) src(%dma_wait3A_102 : memref<640x16xf32, #tpu.memory_space<vmem_shared>>) dst(%arg9 : memref<640x16xf32, #tpu.memory_space<vmem>>)
      tpu.yield
    }) : () -> ()
    "tpu.region"() ({
      %run_scoped3A = tpu.sem_alloc : memref<!tpu.dma_semaphore, #tpu.memory_space<semaphore_mem>>
      %dma_start3A_95 = arith.constant 0 : i32
      %dma_start3A_96 = tpu.memref_slice %arg4[%arg0, %mul3A_53, %dma_start3A_95] : memref<2x10240x16xf32, #tpu.memory_space<hbm>> -> memref<1x640x16xf32, #tpu.memory_space<hbm>>
      %dma_start3A_97 = tpu.memref_squeeze %dma_start3A_96 : memref<1x640x16xf32, #tpu.memory_space<hbm>> -> memref<640x16xf32, #tpu.memory_space<hbm>>
      %dma_start3A_98 = arith.constant 0 : i32
      %dma_start3A_99 = tpu.memref_slice %arg4[%arg0, %mul3A_53, %dma_start3A_98] : memref<2x10240x16xf32, #tpu.memory_space<hbm>> -> memref<1x640x16xf32, #tpu.memory_space<hbm>>
      %dma_start3A_100 = tpu.memref_squeeze %dma_start3A_99 : memref<1x640x16xf32, #tpu.memory_space<hbm>> -> memref<640x16xf32, #tpu.memory_space<hbm>>
      tpu.enqueue_dma source(%arg9 : memref<640x16xf32, #tpu.memory_space<vmem>>) target(%dma_start3A_100 : memref<640x16xf32, #tpu.memory_space<hbm>>) target_semaphore(%run_scoped3A : memref<!tpu.dma_semaphore, #tpu.memory_space<semaphore_mem>>)
      %dma_wait3A_101 = arith.constant 0 : i32
      %dma_wait3A_102 = tpu.memref_slice %arg4[%arg0, %mul3A_53, %dma_wait3A_101] : memref<2x10240x16xf32, #tpu.memory_space<hbm>> -> memref<1x640x16xf32, #tpu.memory_space<hbm>>
      %dma_wait3A_103 = tpu.memref_squeeze %dma_wait3A_102 : memref<1x640x16xf32, #tpu.memory_space<hbm>> -> memref<640x16xf32, #tpu.memory_space<hbm>>
      %dma_wait3A_104 = arith.constant 0 : i32
      %dma_wait3A_105 = tpu.memref_slice %arg4[%arg0, %mul3A_53, %dma_wait3A_104] : memref<2x10240x16xf32, #tpu.memory_space<hbm>> -> memref<1x640x16xf32, #tpu.memory_space<hbm>>
      %dma_wait3A_106 = tpu.memref_squeeze %dma_wait3A_105 : memref<1x640x16xf32, #tpu.memory_space<hbm>> -> memref<640x16xf32, #tpu.memory_space<hbm>>
      tpu.wait_dma2 semaphore(%run_scoped3A : memref<!tpu.dma_semaphore, #tpu.memory_space<semaphore_mem>>) src(%arg9 : memref<640x16xf32, #tpu.memory_space<vmem>>) dst(%dma_wait3A_106 : memref<640x16xf32, #tpu.memory_space<hbm>>)
      tpu.yield
    }) : () -> ()
    "tpu.region"() ({
      %run_scoped3A = tpu.sem_alloc : memref<!tpu.dma_semaphore, #tpu.memory_space<semaphore_mem>>
      %dma_start3A_95 = tpu.memref_slice %arg12[%mul3A_53] : memref<10240xf32, #tpu.memory_space<vmem_shared>> -> memref<640xf32, #tpu.memory_space<vmem_shared>>
      %dma_start3A_96 = tpu.memref_slice %arg12[%mul3A_53] : memref<10240xf32, #tpu.memory_space<vmem_shared>> -> memref<640xf32, #tpu.memory_space<vmem_shared>>
      tpu.enqueue_dma source(%dma_start3A_96 : memref<640xf32, #tpu.memory_space<vmem_shared>>) target(%arg10 : memref<640xf32, #tpu.memory_space<vmem>>) target_semaphore(%run_scoped3A : memref<!tpu.dma_semaphore, #tpu.memory_space<semaphore_mem>>)
      %dma_wait3A_97 = tpu.memref_slice %arg12[%mul3A_53] : memref<10240xf32, #tpu.memory_space<vmem_shared>> -> memref<640xf32, #tpu.memory_space<vmem_shared>>
      %dma_wait3A_98 = tpu.memref_slice %arg12[%mul3A_53] : memref<10240xf32, #tpu.memory_space<vmem_shared>> -> memref<640xf32, #tpu.memory_space<vmem_shared>>
      tpu.wait_dma2 semaphore(%run_scoped3A : memref<!tpu.dma_semaphore, #tpu.memory_space<semaphore_mem>>) src(%dma_wait3A_98 : memref<640xf32, #tpu.memory_space<vmem_shared>>) dst(%arg10 : memref<640xf32, #tpu.memory_space<vmem>>)
      tpu.yield
    }) : () -> ()
    %mul3A_92 = arith.constant 10240 : i32
    %mul3A_93 = arith.muli %arg0, %mul3A_92 : i32
    %add3A_94 = arith.addi %mul3A_93, %mul3A_53 : i32
    "tpu.region"() ({
      %run_scoped3A = tpu.sem_alloc : memref<!tpu.dma_semaphore, #tpu.memory_space<semaphore_mem>>
      %dma_start3A_95 = tpu.memref_slice %arg5[%add3A_94] : memref<20480xf32, #tpu.memory_space<hbm>> -> memref<640xf32, #tpu.memory_space<hbm>>
      %dma_start3A_96 = tpu.memref_slice %arg5[%add3A_94] : memref<20480xf32, #tpu.memory_space<hbm>> -> memref<640xf32, #tpu.memory_space<hbm>>
      tpu.enqueue_dma source(%arg10 : memref<640xf32, #tpu.memory_space<vmem>>) target(%dma_start3A_96 : memref<640xf32, #tpu.memory_space<hbm>>) target_semaphore(%run_scoped3A : memref<!tpu.dma_semaphore, #tpu.memory_space<semaphore_mem>>)
      %dma_wait3A_97 = tpu.memref_slice %arg5[%add3A_94] : memref<20480xf32, #tpu.memory_space<hbm>> -> memref<640xf32, #tpu.memory_space<hbm>>
      %dma_wait3A_98 = tpu.memref_slice %arg5[%add3A_94] : memref<20480xf32, #tpu.memory_space<hbm>> -> memref<640xf32, #tpu.memory_space<hbm>>
      tpu.wait_dma2 semaphore(%run_scoped3A : memref<!tpu.dma_semaphore, #tpu.memory_space<semaphore_mem>>) src(%arg10 : memref<640xf32, #tpu.memory_space<vmem>>) dst(%dma_wait3A_98 : memref<640xf32, #tpu.memory_space<hbm>>)
      tpu.yield
    }) : () -> ()
    return
  }
}

module attributes {stable_mosaic.version = 14 : i64} {
  func.func @_tc_dense_body(%arg0: i32, %arg1: memref<2x1000x16xf32, #tpu.memory_space<vmem>>, %arg2: memref<1000x2xf32, #tpu.memory_space<vmem>>, %arg3: memref<16x128xf32, #tpu.memory_space<vmem>>, %arg4: memref<1x128xf32, #tpu.memory_space<vmem>>, %arg5: memref<128x128xf32, #tpu.memory_space<vmem>>, %arg6: memref<1x128xf32, #tpu.memory_space<vmem>>, %arg7: memref<1000x128xf32, #tpu.memory_space<vmem>>) attributes {dimension_semantics = [#tpu.dimension_semantics<arbitrary>], iteration_bounds = array<i64: 10>, scalar_prefetch = 0 : i64, scratch_operands = 0 : i64, tpu.core_type = #tpu.core_type<tc>, window_params = [{transform_indices = @transform_0, window_bounds = array<i64: 2, 1000, 16>}, {transform_indices = @transform_1, window_bounds = array<i64: 1000, 2>}, {pipeline_mode = #tpu.pipeline_mode<synchronous>, transform_indices = @transform_2, window_bounds = array<i64: 16, 128>}, {pipeline_mode = #tpu.pipeline_mode<synchronous>, transform_indices = @transform_3, window_bounds = array<i64: 1, 128>}, {pipeline_mode = #tpu.pipeline_mode<synchronous>, transform_indices = @transform_4, window_bounds = array<i64: 128, 128>}, {pipeline_mode = #tpu.pipeline_mode<synchronous>, transform_indices = @transform_5, window_bounds = array<i64: 1, 128>}, {transform_indices = @transform_6, window_bounds = array<i64: 1000, 128>}]} {
    %get3A = arith.constant 0 : index
    %get3A_0 = arith.constant 0 : index
    %get3A_1 = arith.constant 0 : index
    %get3A_2 = vector.load %arg1[%get3A, %get3A_0, %get3A_1] : memref<2x1000x16xf32, #tpu.memory_space<vmem>>, vector<1x1000x16xf32>
    %get3A_3 = vector.shape_cast %get3A_2 : vector<1x1000x16xf32> to vector<1000x16xf32>
    %get3A_4 = arith.constant 1 : index
    %get3A_5 = arith.constant 0 : index
    %get3A_6 = arith.constant 0 : index
    %get3A_7 = vector.load %arg1[%get3A_4, %get3A_5, %get3A_6] : memref<2x1000x16xf32, #tpu.memory_space<vmem>>, vector<1x1000x16xf32>
    %get3A_8 = vector.shape_cast %get3A_7 : vector<1x1000x16xf32> to vector<1000x16xf32>
    %add3A = arith.addf %get3A_3, %get3A_8 : vector<1000x16xf32>
    %get3A_9 = arith.constant 0 : index
    %get3A_10 = arith.constant 0 : index
    %get3A_11 = vector.load %arg2[%get3A_9, %get3A_10] : memref<1000x2xf32, #tpu.memory_space<vmem>>, vector<1000x1xf32>
    %get3A_12 = arith.constant 0 : index
    %get3A_13 = arith.constant 1 : index
    %get3A_14 = vector.load %arg2[%get3A_12, %get3A_13] : memref<1000x2xf32, #tpu.memory_space<vmem>>, vector<1000x1xf32>
    %add3A_15 = arith.addf %get3A_11, %get3A_14 : vector<1000x1xf32>
    %max3A = arith.constant 1.000000e+00 : f32
    %max3A_16 = vector.broadcast %max3A : f32 to vector<1000x1xf32>
    %max3A_17 = arith.maximumf %add3A_15, %max3A_16 : vector<1000x1xf32>
    %get3A_18 = arith.constant 0 : index
    %get3A_19 = arith.constant 0 : index
    %get3A_20 = vector.load %arg3[%get3A_18, %get3A_19] : memref<16x128xf32, #tpu.memory_space<vmem>>, vector<16x128xf32>
    %dot_general3A = arith.constant dense<0.000000e+00> : vector<1000x128xf32>
    %dot_general3A_21 = tpu.matmul %add3A, %get3A_20, %dot_general3A {dimension_numbers = #tpu.dot_dimension_numbers<[1], [0], [0], [1], [0, 0, 1, 1], [], []>, transpose_lhs_hint = false} : vector<1000x16xf32>, vector<16x128xf32>, vector<1000x128xf32> -> vector<1000x128xf32>
    %get3A_22 = arith.constant 0 : index
    %get3A_23 = arith.constant 0 : index
    %get3A_24 = vector.load %arg4[%get3A_22, %get3A_23] : memref<1x128xf32, #tpu.memory_space<vmem>>, vector<1x128xf32>
    %mul3A = vector.broadcast %add3A_15 : vector<1000x1xf32> to vector<1000x128xf32>
    %mul3A_25 = vector.broadcast %get3A_24 : vector<1x128xf32> to vector<1000x128xf32>
    %mul3A_26 = arith.mulf %mul3A, %mul3A_25 : vector<1000x128xf32>
    %add3A_27 = arith.addf %dot_general3A_21, %mul3A_26 : vector<1000x128xf32>
    %div3A = vector.broadcast %max3A_17 : vector<1000x1xf32> to vector<1000x128xf32>
    %div3A_28 = arith.divf %add3A_27, %div3A : vector<1000x128xf32>
    %get3A_29 = arith.constant 0 : index
    %get3A_30 = arith.constant 0 : index
    %get3A_31 = vector.load %arg5[%get3A_29, %get3A_30] : memref<128x128xf32, #tpu.memory_space<vmem>>, vector<128x128xf32>
    %dot_general3A_32 = arith.constant dense<0.000000e+00> : vector<1000x128xf32>
    %dot_general3A_33 = tpu.matmul %div3A_28, %get3A_31, %dot_general3A_32 {dimension_numbers = #tpu.dot_dimension_numbers<[1], [0], [0], [1], [0, 0, 1, 1], [], []>, transpose_lhs_hint = false} : vector<1000x128xf32>, vector<128x128xf32>, vector<1000x128xf32> -> vector<1000x128xf32>
    %get3A_34 = arith.constant 0 : index
    %get3A_35 = arith.constant 0 : index
    %get3A_36 = vector.load %arg6[%get3A_34, %get3A_35] : memref<1x128xf32, #tpu.memory_space<vmem>>, vector<1x128xf32>
    %add3A_37 = vector.broadcast %get3A_36 : vector<1x128xf32> to vector<1000x128xf32>
    %add3A_38 = arith.addf %dot_general3A_33, %add3A_37 : vector<1000x128xf32>
    %swap3A = arith.constant 0 : index
    %swap3A_39 = arith.constant 0 : index
    %swap3A_40 = vector.load %arg7[%swap3A, %swap3A_39] : memref<1000x128xf32, #tpu.memory_space<vmem>>, vector<1000x128xf32>
    tpu.vector_store %arg7[%swap3A, %swap3A_39], %add3A_38 {strides = array<i32>} : memref<1000x128xf32, #tpu.memory_space<vmem>>, vector<1000x128xf32>,
    return
  }
  func.func @transform_0(%arg0: i32) -> (i32, i32, i32) {
    %c0_i32 = arith.constant 0 : i32
    %c0_i32_0 = arith.constant 0 : i32
    %c0_i32_1 = arith.constant 0 : i32
    return %c0_i32, %arg0, %c0_i32_0 : i32, i32, i32
  }
  func.func @transform_1(%arg0: i32) -> (i32, i32) {
    %c0_i32 = arith.constant 0 : i32
    %c0_i32_0 = arith.constant 0 : i32
    return %arg0, %c0_i32 : i32, i32
  }
  func.func @transform_2(%arg0: i32) -> (i32, i32) {
    %c0_i32 = arith.constant 0 : i32
    %c0_i32_0 = arith.constant 0 : i32
    %c0_i32_1 = arith.constant 0 : i32
    return %c0_i32, %c0_i32_0 : i32, i32
  }
  func.func @transform_3(%arg0: i32) -> (i32, i32) {
    %c0_i32 = arith.constant 0 : i32
    %c0_i32_0 = arith.constant 0 : i32
    %c0_i32_1 = arith.constant 0 : i32
    return %c0_i32, %c0_i32_0 : i32, i32
  }
  func.func @transform_4(%arg0: i32) -> (i32, i32) {
    %c0_i32 = arith.constant 0 : i32
    %c0_i32_0 = arith.constant 0 : i32
    %c0_i32_1 = arith.constant 0 : i32
    return %c0_i32, %c0_i32_0 : i32, i32
  }
  func.func @transform_5(%arg0: i32) -> (i32, i32) {
    %c0_i32 = arith.constant 0 : i32
    %c0_i32_0 = arith.constant 0 : i32
    %c0_i32_1 = arith.constant 0 : i32
    return %c0_i32, %c0_i32_0 : i32, i32
  }
  func.func @transform_6(%arg0: i32) -> (i32, i32) {
    %c0_i32 = arith.constant 0 : i32
    %c0_i32_0 = arith.constant 0 : i32
    return %arg0, %c0_i32 : i32, i32
  }
}

</mosaic_0001>

<sc_bundles>
// kernel: kernel.4.cloned.1.call-start
scs
__scs_entry_jumppad:
0x0: {  	(pc) =	sbr.rel $0x88, $3  }
0x1: {  	(tag) =	ssettag $0x0;
	lr =	simm.s32 $0x1  }
0x2: {  	[smem:$0x3F9B] =	sst lr;
	_ =	strace $0xD0000000  }
0x3: {  	_ = 	snop  }
0x4: {  	_ = 	snop  }
0x5: {  	_ = 	snop  }
0x6: {  	_ = 	snop  }
0x7: {  	_ = 	snop  }
__scs_overlays_trampoline_lowered:
0x8: {  	[smem:$0x3FAA] =	sst s0  }
0x9: {  	[smem:$0x3FAB] =	sst s1  }
0xa: {  	[smem:$0x3FAC] =	sst s2  }
0xb: {  	[smem:$0x3FAD] =	sst s3  }
0xc: {  	[smem:$0x3FAE] =	sst s4  }
0xd: {  	[smem:$0x3FAF] =	sst s5  }
0xe: {  	[smem:$0x3FB0] =	sst s6  }
0xf: {  	[smem:$0x3FB1] =	sst s7  }
0x10: {  	[smem:$0x3FB2] =	sst s8  }
0x11: {  	[smem:$0x3FB3] =	sst s9;
	s0 =	simm.s32 @!p0 $0x0  }
0x12: {  	s1 =	sld [smem:$0x3F99];
	s0 =	simm.s32 @p0 $0x1  }
0x13: {  	[smem:$0x3FB4] =	sst s0;
	s0 =	simm.s32 @!p1 $0x0  }
0x14: {  	s2 =	sld [smem:$0x3F98];
	s0 =	simm.s32 @p1 $0x1  }
0x15: {  	[smem:$0x3FB5] =	sst s0;
	s0 =	simm.s32 @!p2 $0x0  }
0x16: {  	s3 =	sld [smem:$0x3FDB];
	s0 =	simm.s32 @p2 $0x1  }
0x17: {  	s4 =	simm.s32 $0x1BF5;
	[smem:$0x3FB7] =	sst s0  }
0x18: {  	s0 =	sld [smem:$0x3F9A];
	_ =	swait.ge [sflag:s4], $0x0  }
0x19: {  	s7 =	sld [smem:$0x3F9B]  }
0x1a: {  	s8 =	sadd.s32 $0xFFFFE003, lr  }
0x1b: {  	s9 =	sadd.s32 $0xFFFFFEF7, lr;
	s5 =	simm.s32 $0xFFFFFFFF;
	p2 =	slt.u32 s8, $0xFFFFF086  }
0x1c: {  	p1 =	slt.u32 s9, $0xF7A;
	s5 =	simm.s32 @!p2 $0x0  }
0x1d: {  	s5 =	simm.s32 @p1 $0x1;
	p0 =	seq.s32 s7, s2  }
0x1e: {  	s7 =	smul.u32 @!p0 $0xF7A, s2;
	p2 =	seq.s32 @!p0 s5, $0x0  }
0x1f: {  	s9 =	smul.u32 $0xF7A, s1;
	s8 =	simm.s32 @!p0 $0x1BF5;
	p2 =	por !p2, p0  }
0x20: {  	[sflag:s8] =	ssyncset.s32 @!p0 $0xFFFFF086;
	s6 =	sadd.s32 @!p0 s3, s7;
	s7 =	simm.s32 @!p0 $0x108  }
0x21: {  	s3 =	sadd.s32 s3, s9;
	s6 =	sadd.s32 @!p0 $0x88, s6;
	s7 =	simm.s32 @p2 $0x1082  }
0x22: {  	[simem:s7], [sflag:s8] =	dma.local @!p0 [hbm:s6], $0xF7A  }
0x23: {  	s9 =	sor.u32 $0xD0000000, s2;
	s6 =	simm.s32 $0x108;
	_ =	swait.ge @!p0 [sflag:s8], $0x0  }
0x24: {  	s3 =	sadd.s32 $0x88, s3;
	s6 =	simm.s32 @!p1 $0x1082;
	[sflag:s4] =	ssyncset.s32 $0xFFFFF086  }
0x25: {  	[simem:s6], [sflag:s4] =	dma.local [hbm:s3], $0xF7A  }
0x26: {  	[smem:$0x3F9B] =	sst s1;
	(tag) =	ssettag s2;
	_ =	strace s9  }
0x27: {  	s1 =	sld [smem:$0x3FAB]  }
0x28: {  	s2 =	sld [smem:$0x3FAC]  }
0x29: {  	s4 =	sld [smem:$0x3FAE]  }
0x2a: {  	p0 =	seq.s32 s5, $0x0;
	s5 =	sld [smem:$0x3FAF]  }
0x2b: {  	s6 =	sld [smem:$0x3FB0]  }
0x2c: {  	s7 =	sld [smem:$0x3FB1]  }
0x2d: {  	s3 =	simm.s32 $0x108;
	s8 =	sld [smem:$0x3FB2]  }
0x2e: {  	s3 =	simm.s32 @!p0 $0x1082;
	s9 =	sld [smem:$0x3FB3]  }
0x2f: {  	lr =	sadd.s32 s0, s3;
	s0 =	sld [smem:$0x3FAA]  }
0x30: {  	s3 =	sld [smem:$0x3FAD]  }
0x31: {  	[smem:$0x3FB6] =	sst s10  }
0x32: {  	s10 =	sld [smem:$0x3FB4];
	_ =	sdelay $0x3  }
0x33: {  	p0 =	seq.s32 s10, $0x1;
	s10 =	sld [smem:$0x3FB6];
	_ =	sdelay $0x3  }
0x34: {  	[smem:$0x3FB6] =	sst s10  }
0x35: {  	s10 =	sld [smem:$0x3FB5];
	_ =	sdelay $0x3  }
0x36: {  	p1 =	seq.s32 s10, $0x1;
	s10 =	sld [smem:$0x3FB6];
	_ =	sdelay $0x3  }
0x37: {  	[smem:$0x3FB6] =	sst s10  }
0x38: {  	s10 =	sld [smem:$0x3FB7]  }
0x39: {  	_ = 	snop;
	(pc) =	sbr.ind lr, $3  }
0x3a: {  	_ = 	snop  }
0x3b: {  	_ = 	snop  }
0x3c: {  	p2 =	seq.s32 s10, $0x1;
	s10 =	sld [smem:$0x3FB6]  }
0x3d: {  	_ =	shalt  }
0x3e: {  	_ =	shalt  }
0x3f: {  	_ =	shalt  }
0x40: {  	_ =	shalt  }
0x41: {  	_ =	shalt  }
0x42: {  	_ =	shalt  }
0x43: {  	_ =	shalt  }
0x44: {  	_ =	shalt  }
0x45: {  	_ =	shalt  }
0x46: {  	_ =	shalt  }
0x47: {  	_ =	shalt  }
0x48: {  	_ =	shalt  }
0x49: {  	_ =	shalt  }
0x4a: {  	_ =	shalt  }
0x4b: {  	_ =	shalt  }
0x4c: {  	_ =	shalt  }
0x4d: {  	_ =	shalt  }
0x4e: {  	_ =	shalt  }
0x4f: {  	_ =	shalt  }
0x50: {  	_ =	shalt  }
0x51: {  	_ =	shalt  }
0x52: {  	_ =	shalt  }
0x53: {  	_ =	shalt  }
0x54: {  	_ =	shalt  }
0x55: {  	_ =	shalt  }
0x56: {  	_ =	shalt  }
0x57: {  	_ =	shalt  }
0x58: {  	_ =	shalt  }
0x59: {  	_ =	shalt  }
0x5a: {  	_ =	shalt  }
0x5b: {  	_ =	shalt  }
0x5c: {  	_ =	shalt  }
0x5d: {  	_ =	shalt  }
0x5e: {  	_ =	shalt  }
0x5f: {  	_ =	shalt  }
0x60: {  	_ =	shalt  }
0x61: {  	_ =	shalt  }
0x62: {  	_ =	shalt  }
0x63: {  	_ =	shalt  }
0x64: {  	_ =	shalt  }
0x65: {  	_ =	shalt  }
0x66: {  	_ =	shalt  }
0x67: {  	_ =	shalt  }
0x68: {  	_ =	shalt  }
0x69: {  	_ =	shalt  }
0x6a: {  	_ =	shalt  }
0x6b: {  	_ =	shalt  }
0x6c: {  	_ =	shalt  }
0x6d: {  	_ =	shalt  }
0x6e: {  	_ =	shalt  }
0x6f: {  	_ =	shalt  }
0x70: {  	_ =	shalt  }
0x71: {  	_ =	shalt  }
0x72: {  	_ =	shalt  }
0x73: {  	_ =	shalt  }
0x74: {  	_ =	shalt  }
0x75: {  	_ =	shalt  }
0x76: {  	_ =	shalt  }
0x77: {  	_ =	shalt  }
0x78: {  	_ =	shalt  }
0x79: {  	_ =	shalt  }
0x7a: {  	_ =	shalt  }
0x7b: {  	_ =	shalt  }
0x7c: {  	_ =	shalt  }
0x7d: {  	_ =	shalt  }
0x7e: {  	_ =	shalt  }
0x7f: {  	_ =	shalt  }
0x80: {  	_ =	shalt  }
0x81: {  	_ =	shalt  }
0x82: {  	_ =	shalt  }
0x83: {  	_ =	shalt  }
0x84: {  	_ =	shalt  }
0x85: {  	_ =	shalt  }
0x86: {  	_ =	shalt  }
0x87: {  	_ =	shalt  }
.Lfunc_end0:
.L_simem_size_0:
called_computation_lowered:
.L_overlay_start_0:
0x88: {  	s2 =	sld [smem:$0x3FD9]  }
0x89: {  	s3 =	sld [smem:$0x3FFE];
	_ =	sdelay $0x1  }
0x8a: {  	s1 =	srdreg.scid  }
0x8b: {  	s0 =	sand.u32 $0x1, s1  }
0x8c: {  	s17 =	sshll.u32 s0, $0xA;
	s2 =	sadd.s32 s3, s2  }
0x8d: {  	s2 =	sadd.s32 s2, s17  }
0x8e: {  	[smem:$0x3FC2] =	sst s2  }
0x8f: {  	_ = 	snop  }
0x90: {  	s2 =	sld [smem:$0x3FC8]  }
0x91: {  	s18 =	sld [smem:$0x3FD0];
	(tm) =	ssettm $0x1  }
0x92: {  	s4 =	sld [smem:$0x3FFB];
	_ =	sdelay $0x3  }
0x93: {  	_ =	strace s4  }
0x94: {  	s4 =	sld [smem:$0x3FFC];
	_ =	sdelay $0x3  }
0x95: {  	_ =	strace s4  }
0x96: {  	s4 =	sld [smem:$0x3FFD];
	_ =	sdelay $0x3  }
0x97: {  	_ =	strace s4  }
0x98: {  	_ =	strace $0x8FFFFFFF  }
0x99: {  	s19 =	sld [smem:$0x3FDB];
	_ =	sdelay $0x1  }
0x9a: {  	s5 =	simm.s32 $_scs_section_size  }
0x9b: {  	s6 =	simm.s32 $_size__tile_overlayer_lowered;
	s7 =	simm.s32 $_tile_overlayer_lowered  }
0x9c: {  	s22 =	simm.s32 $0x1BFF;
	s21 =	sshll.u32 s7, $0x1;
	s4 =	sadd.s32 s5, s19  }
0x9d: {  	s8 =	simm.s32 $0x0;
	s20 =	sshll.u32 s6, $0x1;
	s6 =	sadd.s32 s21, s4  }
0x9e: {  	[timem:s8], [sflag:s22] =	dma.local [hbm:s6], s20  }
0x9f: {  	_ =	swait.ge [sflag:s22], s20  }
0xa0: {  	s5 =	ssub.s32 $0x0, s20;
	[sflag:s22] =	ssyncset.done $0x0  }
0xa1: {  	[sflag:s22] =	ssyncadd.s32 s5;
	_ =	sdelay $0x1  }
0xa2: {  	s23 =	simm.s32 $0x1B8B  }
0xa3: {  	_ =	swait.ge [sflag:s23], $0x1  }
0xa4: {  	[sflag:s23] =	ssyncset.done $0x0  }
0xa5: {  	s25 =	simm.s32 $0x1B8E;
	s24 =	sld [smem:$0x3FFE];
	[sflag:s23] =	ssyncadd.s32 $0xFFFFFFFF  }
0xa6: {  	s26 =	simm.s32 $execute0_lowered;
	[smem:$0x3FD2] =	sst s25  }
0xa7: {  	s6 =	sshll.u32 s26, $0x1;
	_ =	strace $0x80000046;
	[dreg:$0x1] =	wrdreg $0xFFFFFFFF  }
0xa8: {  	s28 =	simm.s32 $_size_execute0_lowered;
	s4 =	sadd.s32 s4, s6;
	[dreg:$0x0] =	wrdreg $0x0  }
0xa9: {  	s6 =	sshll.u32 s28, $0x1;
	[dreg:$0x2] =	wrdreg s4  }
0xaa: {  	[dreg:$0x3] =	wrdreg s6  }
0xab: {  	[dreg:$0x4] =	wrdreg $0xC0  }
0xac: {  	_ =	task [dreg:s8], $0x5FFFF  }
0xad: {  	[dreg:$0x1] =	wrdreg $0xFFFFFFFF  }
0xae: {  	[dreg:$0x0] =	wrdreg $0x60  }
0xaf: {  	[dreg:$0x2] =	wrdreg s24  }
0xb0: {  	[dreg:$0x3] =	wrdreg s2  }
0xb1: {  	[dreg:$0x4] =	wrdreg s18  }
0xb2: {  	[dreg:$0x5] =	wrdreg $0x14A000  }
0xb3: {  	[dreg:$0x6] =	wrdreg $0x172000  }
0xb4: {  	[dreg:$0x7] =	wrdreg $0x9  }
0xb5: {  	_ =	task.clear_ibuf [dreg:s8], $0x8FFFF;
	_ =	strace $0x90000046  }
0xb6: {  	s29 =	simm.s32 $0x9;
	_ =	strace $0x80000048  }
0xb7: {  	_ =	swait.ge [sflag:s29], $0x1  }
0xb8: {  	[sflag:s29] =	ssyncadd.s32 $0xFFFFFFFF  }
0xb9: {  	_ =	strace $0x90000048  }
0xba: {  	_ =	sfence  }
0xbb: {  	s30 =	sld [smem:$0x0];
	_ =	sdelay $0x2  }
0xbc: {  	s31 =	sshll.u32 s1, $0xD;
	s1 =	sshrl.u32 s1, $0x2  }
0xbd: {  	s3 =	sand.u32 $0x4000, s31;
	s1 =	sadd.s32 s1, s30  }
0xbe: {  	s0 =	sor.u32 s3, s0;
	s1 =	sshll.u32 s1, $0x11  }
0xbf: {  	s0 =	sor.u32 s1, s0  }
0xc0: {  	s0 =	sadd.s32 $0x8F2B, s0  }
0xc1: {  	[sflag:s0] =	ssyncadd.remote.s32 $0x1  }
0xc2: {  	_ =	sfence.sel $0xFFFF  }
0xc3: {  	[dreg:$0x0] =	wrdreg $0xFFFFFFFF;
	(pc) =	sbr.abs _section_cstart, $3  }
0xc4: {  	[dreg:$0x1] =	wrdreg $0xFFFFFFFF  }
0xc5: {  	_ =	task.clear_ibuf [dreg:s8], $0x2FFFF;
	_ =	strace $0x9FFFFFFF  }
0xc6: {  	(tm) =	ssettm $0x7FFFFFFF  }
0xc7: {  	_ =	shalt  }
tec
execute0_lowered:
.L_overlay_start_1:
0x0: {  	(tag) =	ssettag $0x1  }
0x1: {  	s5 =	rddreg [dreg:$0x0]  }
0x2: {  	s9 =	rddreg [dreg:$0x1]  }
0x3: {  	s11 =	rddreg [dreg:$0x2]  }
0x4: {  	s2 =	rddreg [dreg:$0x3];
	s0 =	stileid.u32  }
0x5: {  	s3 =	rddreg [dreg:$0x4];
	s22 =	smul.u32 $0x280, s0  }
0x6: {  	s6 =	srdreg.scid;
	s4 =	simm.s32 $0x0;
	s15 =	smul.u32 $0x2800, s0  }
0x7: {  	s7 =	sand.u32 $0x1, s6;
	[smem:$0x7FF] =	sst s4;
	s21 =	smul.u32 $0x4E, s0  }
0x8: {  	s14 =	sadd.s32 $0x4E3000, s5;
	s8 =	smul.u32 $0x2800, s7;
	s10 =	sshll.u32 s7, $0x4  }
0x9: {  	_ =	strace $0x80000047;
	s23 =	ssub.s32 $0x2, s7;
	s28 =	smul.u32 $0x28000, s7  }
0xa: {  	s18 =	smul.u32 $0x4E0, s7;
	s24 =	sor.u32 s0, s10;
	s13 =	sshrl.u32 s23, $0x1  }
0xb: {  	s6 =	sadd.s32 s22, s3;
	s8 =	sadd.s32 s22, s8;
	s12 =	smul.u32 $0x4E, s24  }
0xc: {  	s13 =	ssub.s32 s23, s13;
	s25 =	smin.u32 s24, $0x4;
	s30 =	sadd.s32 s21, s18  }
0xd: {  	s18 =	simm.s32 $0xD000;
	s21 =	simm.s32 $0x11F00;
	s22 =	simm.s32 $0x1  }
0xe: {  	s23 =	simm.s32 $0x2;
	p0 =	sgt.u32 s24, $0x3;
	s8 =	sshrl.u32 s8, $0x3  }
0xf: {  	s24 =	simm.s32 $0x0;
	s13 =	smax.u32 s13, $0x1;
	s16 =	sadd.s32 s8, s5  }
0x10: {  	s26 =	sadd.s32 s25, s12;
	s5 =	sadd.s32 s15, s2;
	s12 =	sadd.s32 s15, s28  }
0x11: {  	s15 =	sadd.s32 s25, s30;
	s17 =	sshll.u32 s26, $0x5;
	s19 =	sshll.u32 s26, $0x8  }
0x12: {  	s20 =	sadd.s32 $0x4E, s26;
	s12 =	sshrl.u32 s12, $0x3;
	s15 =	sshll.u32 s15, $0x8  }
0x13: {  	s7 =	sadd.s32 s9, s17;
	s8 =	sadd.s32 s14, s19;
	s29 =	sshll.u32 s20, $0x5  }
0x14: {  	s31 =	sshll.u32 s20, $0x8;
	s11 =	sadd.s32 s11, s12;
	s12 =	sadd.s32 $0x1000, s16  }
0x15: {  	s16 =	simm.s32 $0x4;
	s17 =	simm.s32 $0x14780;
	s19 =	simm.s32 $0x3  }
0x16: {  	s20 =	simm.s32 $0x80;
	s10 =	sadd.s32 s14, s31;
	s14 =	sadd.s32 s15, s14  }
0x17: {  	v0 =	vimm.f32 $1.000000000e+00;
	v1 =	vimm.f32 $0.0e+00;
	s9 =	sadd.s32 s9, s29;
	s15 =	simm.s32 $0x11F80;
	s14 =	sadd.s32 $0xD00, s14  }
.LBB2_1:
0x18: {  	[tilespmem:$0x11F00] =	vst v0  }
0x19: {  	[tilespmem:$0x11F10] =	vst v0  }
0x1a: {  	[tilespmem:$0x11F20] =	vst v0  }
0x1b: {  	[tilespmem:$0x11F30] =	vst v0  }
0x1c: {  	[tilespmem:$0x11F40] =	vst v0  }
0x1d: {  	[tilespmem:$0x11F50] =	vst v0  }
0x1e: {  	[tilespmem:$0x11F60] =	vst v0  }
0x1f: {  	[tilespmem:$0x11F70] =	vst v0;
	s25 =	simm.s32 $0x40;
	s26 =	simm.s32 $0x0  }
.LBB2_2:
0x20: {  	p1 =	sne.s32 s25, $0x9FC0;
	[tilespmem:s26+$0x11F80] =	vst v1;
	s26 =	smov.u32 s25;
	s25 =	sadd.s32 $0x40, s25  }
.Ltmp0:
0x21: {  	(pc) =	sbr.rel @p1 .LBB2_2-.Ltmp0, $2  }
0x22: {  	_ =	sdelay $0x2  }
0x23: {  	s26 =	sshra.s32 s26, $0x2  }
0x24: {  	[tilespmem:s26+$0x11F80] =	vst v1  }
0x25: {  	[tilespmem:$0x14780] =	vst v1  }
0x26: {  	[tilespmem:$0x14790] =	vst v1  }
0x27: {  	[tilespmem:$0x147A0] =	vst v1  }
0x28: {  	[tilespmem:$0x147B0] =	vst v1  }
0x29: {  	[tilespmem:$0x147C0] =	vst v1  }
0x2a: {  	[tilespmem:$0x147D0] =	vst v1  }
0x2b: {  	[tilespmem:$0x147E0] =	vst v1  }
0x2c: {  	[tilespmem:$0x147F0] =	vst v1  }
0x2d: {  	[tilespmem:$0x14800] =	vst v1  }
0x2e: {  	[tilespmem:$0x14810] =	vst v1  }
0x2f: {  	[tilespmem:$0x14820] =	vst v1  }
0x30: {  	[tilespmem:$0x14830] =	vst v1  }
0x31: {  	[tilespmem:$0x14840] =	vst v1  }
0x32: {  	[tilespmem:$0x14850] =	vst v1  }
0x33: {  	[tilespmem:$0x14860] =	vst v1  }
0x34: {  	[tilespmem:$0x14870] =	vst v1  }
0x35: {  	[tilespmem:$0x14880] =	vst v1  }
0x36: {  	[tilespmem:$0x14890] =	vst v1  }
0x37: {  	[tilespmem:$0x148A0] =	vst v1  }
0x38: {  	[tilespmem:$0x148B0] =	vst v1  }
0x39: {  	[tilespmem:$0x148C0] =	vst v1  }
0x3a: {  	[tilespmem:$0x148D0] =	vst v1  }
0x3b: {  	[tilespmem:$0x148E0] =	vst v1  }
0x3c: {  	[tilespmem:$0x148F0] =	vst v1  }
0x3d: {  	[tilespmem:$0x14900] =	vst v1  }
0x3e: {  	[tilespmem:$0x14910] =	vst v1  }
0x3f: {  	[tilespmem:$0x14920] =	vst v1  }
0x40: {  	[tilespmem:$0x14930] =	vst v1  }
0x41: {  	[tilespmem:$0x14940] =	vst v1  }
0x42: {  	[tilespmem:$0x14950] =	vst v1  }
0x43: {  	[tilespmem:$0x14960] =	vst v1  }
0x44: {  	[tilespmem:$0x14970] =	vst v1  }
0x45: {  	[tilespmem:$0x14980] =	vst v1  }
0x46: {  	[tilespmem:$0x14990] =	vst v1  }
0x47: {  	[tilespmem:$0x149A0] =	vst v1  }
0x48: {  	[tilespmem:$0x149B0] =	vst v1  }
0x49: {  	[tilespmem:$0x149C0] =	vst v1  }
0x4a: {  	[tilespmem:$0x149D0] =	vst v1  }
0x4b: {  	[tilespmem:$0x149E0] =	vst v1  }
0x4c: {  	[tilespmem:$0x149F0] =	vst v1  }
0x4d: {  	[spmem:s5] =	stream.linear.scatter [tilespmem:s15], [sflag:$0x4], $0x2800, $0x38;
	[tilespmem:$0x17480] =	vst v63  }
0x4e: {  	_ =	swait.ge [sflag:s16], $0x2800  }
0x4f: {  	[sflag:s16] =	ssyncset.done $0x0  }
0x50: {  	[sflag:s16] =	ssyncadd.s32 $0xFFFFD800  }
0x51: {  	[spmem:s6] =	stream.linear.scatter [tilespmem:s17], [sflag:$0x4], $0x280, $0x38;
	[tilespmem:$0x17480] =	vst v63  }
0x52: {  	_ =	swait.ge [sflag:s16], $0x280  }
0x53: {  	[sflag:s16] =	ssyncset.done $0x0  }
0x54: {  	[sflag:s16] =	ssyncadd.s32 $0xFFFFFD80  }
0x55: {  	s25 =	simm.s32 $0x0;
	[bflag:$0x0] =	sbarrier.arrive $0xFFFF  }
0x56: {  	[tilespmem:s18], [sflag:$0x4] =	stream.linear.gather [hbm4b:s7+s25], $0x4E00, $0x38;
	[tilespmem:$0x17480] =	vst v63  }
0x57: {  	_ =	swait.ge [sflag:s16], $0x4E00  }
0x58: {  	[sflag:s16] =	ssyncset.done $0x0  }
0x59: {  	[sflag:s16] =	ssyncadd.s32 $0xFFFFB200  }
0x5a: {  	[tilespmem:s25], [sflag:$0x3] =	stream.linear.gather [hbm4b:s8+s25], $0x6800, $0x38;
	[tilespmem:$0x17480] =	vst v63  }
0x5b: {  	_ =	swait.ge [sflag:s19], $0x6800  }
0x5c: {  	[sflag:s19] =	ssyncset.done $0x0  }
0x5d: {  	s26 =	smov.u32 s14;
	s28 =	simm.s32 $0x0;
	[sflag:s19] =	ssyncadd.s32 $0xFFFF9800  }
.LBB2_4:
0x5e: {  	s29 =	sand.u32 $0x1, s28  }
0x5f: {  	s30 =	smul.u32 $0x1A000, s29  }
0x60: {  	s31 =	sshra.s32 s25, $0x2  }
0x61: {  	s0 =	sadd.s32 $0xD080, s31;
	s30 =	sshrl.u32 s30, $0x2  }
0x62: {  	[spmem:s2] =	stream.indirect.scatter.add.f32 [tilespmem:s30], [sflag:$0x1], $0x10, s0, s20, $0xb8;
	[tilespmem:$0x17480] =	vst v63  }
0x63: {  	_ = 	snop  }
0x64: {  	[spmem:s3] =	stream.indirect.scatter.add.f32 [tilespmem:s21], [sflag:$0x2], $0x1, s0, s20, $0xb8;
	[tilespmem:$0x17480] =	vst v63  }
0x65: {  	s1 =	sadd.s32 $0xD180, s31;
	s0 =	sadd.s32 $0x800, s30  }
0x66: {  	[spmem:s2] =	stream.indirect.scatter.add.f32 [tilespmem:s0], [sflag:$0x1], $0x10, s1, s20, $0xb8;
	[tilespmem:$0x17480] =	vst v63  }
0x67: {  	_ = 	snop  }
0x68: {  	[spmem:s3] =	stream.indirect.scatter.add.f32 [tilespmem:s21], [sflag:$0x2], $0x1, s1, s20, $0xb8;
	[tilespmem:$0x17480] =	vst v63  }
0x69: {  	s0 =	sadd.s32 $0x1000, s30;
	s1 =	sadd.s32 $0xD280, s31  }
0x6a: {  	[spmem:s2] =	stream.indirect.scatter.add.f32 [tilespmem:s0], [sflag:$0x1], $0x10, s1, s20, $0xb8;
	[tilespmem:$0x17480] =	vst v63  }
0x6b: {  	_ = 	snop  }
0x6c: {  	[spmem:s3] =	stream.indirect.scatter.add.f32 [tilespmem:s21], [sflag:$0x2], $0x1, s1, s20, $0xb8;
	[tilespmem:$0x17480] =	vst v63  }
0x6d: {  	s0 =	sadd.s32 $0x1800, s30;
	s1 =	sadd.s32 $0xD380, s31  }
0x6e: {  	[spmem:s2] =	stream.indirect.scatter.add.f32 [tilespmem:s0], [sflag:$0x1], $0x10, s1, s20, $0xb8;
	[tilespmem:$0x17480] =	vst v63  }
0x6f: {  	_ = 	snop  }
0x70: {  	[spmem:s3] =	stream.indirect.scatter.add.f32 [tilespmem:s21], [sflag:$0x2], $0x1, s1, s20, $0xb8;
	[tilespmem:$0x17480] =	vst v63  }
0x71: {  	s0 =	sadd.s32 $0x2000, s30;
	s1 =	sadd.s32 $0xD480, s31  }
0x72: {  	[spmem:s2] =	stream.indirect.scatter.add.f32 [tilespmem:s0], [sflag:$0x1], $0x10, s1, s20, $0xb8;
	[tilespmem:$0x17480] =	vst v63  }
0x73: {  	_ = 	snop  }
0x74: {  	[spmem:s3] =	stream.indirect.scatter.add.f32 [tilespmem:s21], [sflag:$0x2], $0x1, s1, s20, $0xb8;
	[tilespmem:$0x17480] =	vst v63  }
0x75: {  	s0 =	sadd.s32 $0x2800, s30;
	s1 =	sadd.s32 $0xD580, s31  }
0x76: {  	[spmem:s2] =	stream.indirect.scatter.add.f32 [tilespmem:s0], [sflag:$0x1], $0x10, s1, s20, $0xb8;
	[tilespmem:$0x17480] =	vst v63  }
0x77: {  	_ = 	snop  }
0x78: {  	[spmem:s3] =	stream.indirect.scatter.add.f32 [tilespmem:s21], [sflag:$0x2], $0x1, s1, s20, $0xb8;
	[tilespmem:$0x17480] =	vst v63  }
0x79: {  	s0 =	sadd.s32 $0x3000, s30;
	s1 =	sadd.s32 $0xD680, s31  }
0x7a: {  	[spmem:s2] =	stream.indirect.scatter.add.f32 [tilespmem:s0], [sflag:$0x1], $0x10, s1, s20, $0xb8;
	[tilespmem:$0x17480] =	vst v63  }
0x7b: {  	_ = 	snop  }
0x7c: {  	[spmem:s3] =	stream.indirect.scatter.add.f32 [tilespmem:s21], [sflag:$0x2], $0x1, s1, s20, $0xb8;
	[tilespmem:$0x17480] =	vst v63  }
0x7d: {  	s0 =	sadd.s32 $0x3800, s30;
	s1 =	sadd.s32 $0xD780, s31  }
0x7e: {  	[spmem:s2] =	stream.indirect.scatter.add.f32 [tilespmem:s0], [sflag:$0x1], $0x10, s1, s20, $0xb8;
	[tilespmem:$0x17480] =	vst v63  }
0x7f: {  	_ = 	snop  }
0x80: {  	[spmem:s3] =	stream.indirect.scatter.add.f32 [tilespmem:s21], [sflag:$0x2], $0x1, s1, s20, $0xb8;
	[tilespmem:$0x17480] =	vst v63  }
0x81: {  	s0 =	sadd.s32 $0x4000, s30;
	s1 =	sadd.s32 $0xD880, s31  }
0x82: {  	[spmem:s2] =	stream.indirect.scatter.add.f32 [tilespmem:s0], [sflag:$0x1], $0x10, s1, s20, $0xb8;
	[tilespmem:$0x17480] =	vst v63  }
0x83: {  	_ = 	snop  }
0x84: {  	[spmem:s3] =	stream.indirect.scatter.add.f32 [tilespmem:s21], [sflag:$0x2], $0x1, s1, s20, $0xb8;
	[tilespmem:$0x17480] =	vst v63  }
0x85: {  	s0 =	sadd.s32 $0x4800, s30;
	s1 =	sadd.s32 $0xD980, s31  }
0x86: {  	[spmem:s2] =	stream.indirect.scatter.add.f32 [tilespmem:s0], [sflag:$0x1], $0x10, s1, s20, $0xb8;
	[tilespmem:$0x17480] =	vst v63  }
0x87: {  	_ = 	snop  }
0x88: {  	[spmem:s3] =	stream.indirect.scatter.add.f32 [tilespmem:s21], [sflag:$0x2], $0x1, s1, s20, $0xb8;
	[tilespmem:$0x17480] =	vst v63  }
0x89: {  	s0 =	sadd.s32 $0x5000, s30;
	s1 =	sadd.s32 $0xDA80, s31  }
0x8a: {  	[spmem:s2] =	stream.indirect.scatter.add.f32 [tilespmem:s0], [sflag:$0x1], $0x10, s1, s20, $0xb8;
	[tilespmem:$0x17480] =	vst v63  }
0x8b: {  	_ = 	snop  }
0x8c: {  	[spmem:s3] =	stream.indirect.scatter.add.f32 [tilespmem:s21], [sflag:$0x2], $0x1, s1, s20, $0xb8;
	[tilespmem:$0x17480] =	vst v63  }
0x8d: {  	s0 =	sadd.s32 $0x5800, s30;
	s1 =	sadd.s32 $0xDB80, s31  }
0x8e: {  	[spmem:s2] =	stream.indirect.scatter.add.f32 [tilespmem:s0], [sflag:$0x1], $0x10, s1, s20, $0xb8;
	[tilespmem:$0x17480] =	vst v63  }
0x8f: {  	p1 =	seq.s32 s25, $0x10400  }
0x90: {  	[spmem:s3] =	stream.indirect.scatter.add.f32 [tilespmem:s21], [sflag:$0x2], $0x1, s1, s20, $0xb8;
	[tilespmem:$0x17480] =	vst v63  }
0x91: {  	s30 =	sadd.s32 $0x6000, s30;
	s31 =	sadd.s32 $0xDC80, s31;
	s0 =	sxor.u32 @!p1 $0x1, s29  }
0x92: {  	[spmem:s2] =	stream.indirect.scatter.add.f32 [tilespmem:s30], [sflag:$0x1], $0x10, s31, s20, $0xb8;
	[tilespmem:$0x17480] =	vst v63  }
0x93: {  	s0 =	smul.u32 @!p1 $0x1A000, s0  }
0x94: {  	[spmem:s3] =	stream.indirect.scatter.add.f32 [tilespmem:s21], [sflag:$0x2], $0x1, s31, s20, $0xb8;
	[tilespmem:$0x17480] =	vst v63  }
0x95: {  	s1 =	simm.s32 @!p1 $0x0;
	s0 =	sshrl.u32 @!p1 s0, $0x2  }
0x96: {  	[tilespmem:s0], [sflag:$0x3] =	stream.linear.gather @!p1 [hbm4b:s26+s1], $0x6800, $0x38;
	[tilespmem:$0x17480] =	vst v63  }
0x97: {  	_ =	swait.ge [sflag:s22], $0x800  }
0x98: {  	[sflag:s22] =	ssyncset.done $0x0  }
0x99: {  	[sflag:s22] =	ssyncadd.s32 $0xFFFFF800  }
0x9a: {  	_ =	swait.ge [sflag:s23], $0x80  }
0x9b: {  	[sflag:s23] =	ssyncset.done $0x0  }
0x9c: {  	[sflag:s23] =	ssyncadd.s32 $0xFFFFFF80  }
0x9d: {  	_ =	swait.ge [sflag:s22], $0x800  }
0x9e: {  	[sflag:s22] =	ssyncset.done $0x0  }
0x9f: {  	[sflag:s22] =	ssyncadd.s32 $0xFFFFF800  }
0xa0: {  	_ =	swait.ge [sflag:s23], $0x80  }
0xa1: {  	[sflag:s23] =	ssyncset.done $0x0  }
0xa2: {  	[sflag:s23] =	ssyncadd.s32 $0xFFFFFF80  }
0xa3: {  	_ =	swait.ge [sflag:s22], $0x800  }
0xa4: {  	[sflag:s22] =	ssyncset.done $0x0  }
0xa5: {  	[sflag:s22] =	ssyncadd.s32 $0xFFFFF800  }
0xa6: {  	_ =	swait.ge [sflag:s23], $0x80  }
0xa7: {  	[sflag:s23] =	ssyncset.done $0x0  }
0xa8: {  	[sflag:s23] =	ssyncadd.s32 $0xFFFFFF80  }
0xa9: {  	_ =	swait.ge [sflag:s22], $0x800  }
0xaa: {  	[sflag:s22] =	ssyncset.done $0x0  }
0xab: {  	[sflag:s22] =	ssyncadd.s32 $0xFFFFF800  }
0xac: {  	_ =	swait.ge [sflag:s23], $0x80  }
0xad: {  	[sflag:s23] =	ssyncset.done $0x0  }
0xae: {  	[sflag:s23] =	ssyncadd.s32 $0xFFFFFF80  }
0xaf: {  	_ =	swait.ge [sflag:s22], $0x800  }
0xb0: {  	[sflag:s22] =	ssyncset.done $0x0  }
0xb1: {  	[sflag:s22] =	ssyncadd.s32 $0xFFFFF800  }
0xb2: {  	_ =	swait.ge [sflag:s23], $0x80  }
0xb3: {  	[sflag:s23] =	ssyncset.done $0x0  }
0xb4: {  	[sflag:s23] =	ssyncadd.s32 $0xFFFFFF80  }
0xb5: {  	_ =	swait.ge [sflag:s22], $0x800  }
0xb6: {  	[sflag:s22] =	ssyncset.done $0x0  }
0xb7: {  	[sflag:s22] =	ssyncadd.s32 $0xFFFFF800  }
0xb8: {  	_ =	swait.ge [sflag:s23], $0x80  }
0xb9: {  	[sflag:s23] =	ssyncset.done $0x0  }
0xba: {  	[sflag:s23] =	ssyncadd.s32 $0xFFFFFF80  }
0xbb: {  	_ =	swait.ge [sflag:s22], $0x800  }
0xbc: {  	[sflag:s22] =	ssyncset.done $0x0  }
0xbd: {  	[sflag:s22] =	ssyncadd.s32 $0xFFFFF800  }
0xbe: {  	_ =	swait.ge [sflag:s23], $0x80  }
0xbf: {  	[sflag:s23] =	ssyncset.done $0x0  }
0xc0: {  	[sflag:s23] =	ssyncadd.s32 $0xFFFFFF80  }
0xc1: {  	_ =	swait.ge [sflag:s22], $0x800  }
0xc2: {  	[sflag:s22] =	ssyncset.done $0x0  }
0xc3: {  	[sflag:s22] =	ssyncadd.s32 $0xFFFFF800  }
0xc4: {  	_ =	swait.ge [sflag:s23], $0x80  }
0xc5: {  	[sflag:s23] =	ssyncset.done $0x0  }
0xc6: {  	[sflag:s23] =	ssyncadd.s32 $0xFFFFFF80  }
0xc7: {  	_ =	swait.ge [sflag:s22], $0x800  }
0xc8: {  	[sflag:s22] =	ssyncset.done $0x0  }
0xc9: {  	[sflag:s22] =	ssyncadd.s32 $0xFFFFF800  }
0xca: {  	_ =	swait.ge [sflag:s23], $0x80  }
0xcb: {  	[sflag:s23] =	ssyncset.done $0x0  }
0xcc: {  	[sflag:s23] =	ssyncadd.s32 $0xFFFFFF80  }
0xcd: {  	_ =	swait.ge [sflag:s22], $0x800  }
0xce: {  	[sflag:s22] =	ssyncset.done $0x0  }
0xcf: {  	[sflag:s22] =	ssyncadd.s32 $0xFFFFF800  }
0xd0: {  	_ =	swait.ge [sflag:s23], $0x80  }
0xd1: {  	[sflag:s23] =	ssyncset.done $0x0  }
0xd2: {  	[sflag:s23] =	ssyncadd.s32 $0xFFFFFF80  }
0xd3: {  	_ =	swait.ge [sflag:s22], $0x800  }
0xd4: {  	[sflag:s22] =	ssyncset.done $0x0  }
0xd5: {  	[sflag:s22] =	ssyncadd.s32 $0xFFFFF800  }
0xd6: {  	_ =	swait.ge [sflag:s23], $0x80  }
0xd7: {  	[sflag:s23] =	ssyncset.done $0x0  }
0xd8: {  	[sflag:s23] =	ssyncadd.s32 $0xFFFFFF80  }
0xd9: {  	_ =	swait.ge [sflag:s22], $0x800  }
0xda: {  	[sflag:s22] =	ssyncset.done $0x0  }
0xdb: {  	[sflag:s22] =	ssyncadd.s32 $0xFFFFF800  }
0xdc: {  	_ =	swait.ge [sflag:s23], $0x80  }
0xdd: {  	[sflag:s23] =	ssyncset.done $0x0  }
0xde: {  	[sflag:s23] =	ssyncadd.s32 $0xFFFFFF80  }
0xdf: {  	_ =	swait.ge [sflag:s22], $0x800  }
0xe0: {  	s25 =	sadd.s32 @!p1 $0x3400, s25;
	[sflag:s22] =	ssyncset.done $0x0  }
0xe1: {  	p2 =	sne.s32 @!p1 s25, $0x13800;
	[sflag:s22] =	ssyncadd.s32 $0xFFFFF800  }
0xe2: {  	p2 =	por p1, !p2;
	_ =	swait.ge [sflag:s23], $0x80  }
.Ltmp1:
0xe3: {  	[sflag:s23] =	ssyncset.done $0x0;
	(pc) =	sbr.rel @!p2 .LBB2_4-.Ltmp1, $4  }
0xe4: {  	s0 =	simm.s32 @!p1 $0x3;
	[sflag:s23] =	ssyncadd.s32 $0xFFFFFF80  }
0xe5: {  	_ =	swait.ge @!p1 [sflag:s0], $0x6800  }
0xe6: {  	[sflag:s0] =	ssyncset.done @!p1 $0x0  }
0xe7: {  	s28 =	sadd.s32 @!p1 $0x1, s28;
	s26 =	sadd.s32 @!p1 $0xD00, s26;
	[sflag:s0] =	ssyncadd.s32 @!p1 $0xFFFF9800  }
0xe8: {  	s0 =	simm.s32 @!p0 $0x0;
	s1 =	simm.s32 @!p0 $0x11E00  }
0xe9: {  	[tilespmem:s1], [sflag:$0x4] =	stream.linear.gather @!p0 [hbm4b:s9+s0], $0x100, $0x38;
	[tilespmem:$0x17480] =	vst v63  }
0xea: {  	s1 =	simm.s32 @!p0 $0x4  }
0xeb: {  	_ =	swait.ge @!p0 [sflag:s1], $0x100  }
0xec: {  	[sflag:s1] =	ssyncset.done @!p0 $0x0  }
0xed: {  	[sflag:s1] =	ssyncadd.s32 @!p0 $0xFFFFFF00  }
0xee: {  	[tilespmem:s0], [sflag:$0x4] =	stream.linear.gather @!p0 [hbm4b:s10+s0], $0x800, $0x38;
	[tilespmem:$0x17480] =	vst v63  }
0xef: {  	_ =	swait.ge @!p0 [sflag:s1], $0x800  }
0xf0: {  	[sflag:s1] =	ssyncset.done @!p0 $0x0  }
0xf1: {  	s25 =	simm.s32 @!p0 $0x80;
	s26 =	simm.s32 @!p0 $0x11E80;
	[sflag:s1] =	ssyncadd.s32 @!p0 $0xFFFFF800  }
0xf2: {  	[spmem:s2] =	stream.indirect.scatter.add.f32 @!p0 [tilespmem:s0], [sflag:$0x4], $0x10, s26, s25, $0xb8;
	[tilespmem:$0x17480] =	vst v63  }
0xf3: {  	_ =	swait.ge @!p0 [sflag:s1], $0x800  }
0xf4: {  	[sflag:s1] =	ssyncset.done @!p0 $0x0  }
0xf5: {  	s0 =	simm.s32 @!p0 $0x11F00;
	[sflag:s1] =	ssyncadd.s32 @!p0 $0xFFFFF800  }
0xf6: {  	[spmem:s3] =	stream.indirect.scatter.add.f32 @!p0 [tilespmem:s0], [sflag:$0x4], $0x1, s26, s25, $0xb8;
	[tilespmem:$0x17480] =	vst v63  }
0xf7: {  	_ =	swait.ge @!p0 [sflag:s1], $0x80  }
0xf8: {  	[sflag:s1] =	ssyncset.done @!p0 $0x0  }
0xf9: {  	[sflag:s1] =	ssyncadd.s32 @!p0 $0xFFFFFF80  }
0xfa: {  	[bflag:$0x0] =	sbarrier.arrive $0xFFFF  }
0xfb: {  	[tilespmem:s15], [sflag:$0x4] =	stream.linear.gather [spmem:s5], $0x2800, $0x38;
	[tilespmem:$0x17480] =	vst v63  }
0xfc: {  	_ =	swait.ge [sflag:s16], $0x2800  }
0xfd: {  	[sflag:s16] =	ssyncset.done $0x0  }
0xfe: {  	[sflag:s16] =	ssyncadd.s32 $0xFFFFD800  }
0xff: {  	[hbm4b:s11+s4] =	stream.linear.scatter [tilespmem:s15], [sflag:$0x4], $0x2800, $0x38;
	[tilespmem:$0x17480] =	vst v63  }
0x100: {  	_ =	swait.ge [sflag:s16], $0x2800  }
0x101: {  	[sflag:s16] =	ssyncset.done $0x0  }
0x102: {  	[sflag:s16] =	ssyncadd.s32 $0xFFFFD800  }
0x103: {  	[tilespmem:s17], [sflag:$0x4] =	stream.linear.gather [spmem:s6], $0x280, $0x38;
	[tilespmem:$0x17480] =	vst v63  }
0x104: {  	s24 =	sadd.s32 $0x1, s24;
	_ =	swait.ge [sflag:s16], $0x280  }
0x105: {  	p1 =	sne.s32 s24, s13;
	[sflag:s16] =	ssyncset.done $0x0  }
.Ltmp2:
0x106: {  	[sflag:s16] =	ssyncadd.s32 $0xFFFFFD80;
	(pc) =	sbr.rel @p1 .LBB2_1-.Ltmp2, $4  }
0x107: {  	[hbm4b:s12+s4] =	stream.linear.scatter [tilespmem:s17], [sflag:$0x4], $0x280, $0x38;
	[tilespmem:$0x17480] =	vst v63  }
0x108: {  	_ =	swait.ge [sflag:s16], $0x280  }
0x109: {  	[sflag:s16] =	ssyncset.done $0x0  }
0x10a: {  	[sflag:s16] =	ssyncadd.s32 $0xFFFFFD80  }
0x10b: {  	_ =	sfence.sel $0x180000  }
0x10c: {  	[bflag:$0x0] =	sbarrier.arrive $0xFFFF  }
0x10d: {  	_ =	strace $0x90000047  }
0x10e: {  	s0 =	stileid.u32;
	[bflag:$0x2] =	sbarrier.arrive $0xFFFF  }
0x10f: {  	p0 =	sne.s32 s0, $0x0;
	s0 =	rddreg [dreg:$0x5]  }
0x110: {  	s0 =	sadd.s32 @!p0 $0x100000, s0  }
0x111: {  	[sflag:s0] =	ssyncadd.tile.s32 @!p0 $0x1;
	_ =	shalt  }
.Lfunc_end2:
_tile_overlayer_lowered:
.L_overlay_start_2:
0x112: {  	(tag) =	ssettag $0x2  }
0x113: {  	s0 =	rddreg [dreg:$0x0];
	s2 =	stileid.u32  }
0x114: {  	s1 =	rddreg [dreg:$0x1];
	p0 =	sne.s32 s2, $0x0  }
0x115: {  	s3 =	rddreg [dreg:$0x2];
	[bflag:$0x3] =	sbarrier.arrive $0xFFFF;
	s2 =	simm.s32 @!p0 $0x1C04  }
0x116: {  	[timem:s3], [sflag:s2] =	dma.local @!p0 [hbm:s0], s1  }
0x117: {  	s0 =	simm.s32 @!p0 $0x4  }
0x118: {  	_ =	swait.ge @!p0 [sflag:s0], s1  }
0x119: {  	s1 =	ssub.s32 @!p0 $0x0, s1;
	[sflag:s0] =	ssyncset.done @!p0 $0x0  }
0x11a: {  	[sflag:s0] =	ssyncadd.s32 @!p0 s1  }
0x11b: {  	[bflag:$0x3] =	sbarrier.arrive $0xFFFF  }
0x11c: {  	_ =	shalt  }

</sc_bundles>
